<compile_context>
chip_gen: v7x
topology: tpu7x:2x2x1
jax: 0.10.2.dev20260603
libtpu: 0.0.44.dev20260713+nightly
codegen_flags: <defaults>
</compile_context>

<pallas_src>
import functools

import jax
import jax.numpy as jnp
from jax import lax
from jax.experimental import pallas as pl
from jax.experimental.pallas import tpu as pltpu
from jax.experimental.pallas import tpu_sc as plsc

_B = 16
_M = 4096
_NS = 1024
_L = 16
_C = _M // _L


def _build_fps():
    mesh = plsc.VectorSubcoreMesh(core_axis_name="c", subcore_axis_name="s")

    @functools.partial(
        pl.kernel,
        out_type=jax.ShapeDtypeStruct((_B, _NS), jnp.int32),
        mesh=mesh,
        compiler_params=pltpu.CompilerParams(needs_layout_passes=False),
        scratch_types=[
            pltpu.VMEM((_M,), jnp.float32),
            pltpu.VMEM((_M,), jnp.float32),
            pltpu.VMEM((_M,), jnp.float32),
            pltpu.VMEM((_M,), jnp.float32),
            pltpu.VMEM((_M,), jnp.float32),
            pltpu.VMEM((_NS,), jnp.int32),
        ],
    )
    def fps(xs_hbm, ys_hbm, zs_hbm, out_hbm, x_v, y_v, z_v, da_v, db_v, o_v):
        cid = lax.axis_index("c")
        sid = lax.axis_index("s")
        wid = sid * 2 + cid

        @pl.when(wid < _B)
        def _():
            b = wid
            pltpu.sync_copy(xs_hbm.at[b], x_v)
            pltpu.sync_copy(ys_hbm.at[b], y_v)
            pltpu.sync_copy(zs_hbm.at[b], z_v)
            lanes = lax.iota(jnp.int32, _L)
            zeros = jnp.zeros((_L,), jnp.int32)
            lane0 = lanes == 0

            def coords(nxt):
                return (
                    plsc.load_gather(x_v, [nxt]),
                    plsc.load_gather(y_v, [nxt]),
                    plsc.load_gather(z_v, [nxt]),
                )

            def one_pass(ax, ay, az, src, dst):
                neg = jnp.full((_L,), -jnp.inf, jnp.float32)

                @plsc.parallel_loop(0, _C, unroll=8, carry=(neg, zeros))
                def body(k, carry):
                    mv, mi = carry
                    idxv = k * _L + lanes
                    dx = plsc.load_gather(x_v, [idxv]) - ax
                    dy = plsc.load_gather(y_v, [idxv]) - ay
                    dz = plsc.load_gather(z_v, [idxv]) - az
                    nd = dx * dx + dy * dy + dz * dz
                    if src is not None:
                        nd = jnp.minimum(plsc.load_gather(src, [idxv]), nd)
                    plsc.store_scatter(dst, [idxv], nd)
                    pred = nd > mv
                    mv = jnp.where(pred, nd, mv)
                    mi = jnp.where(pred, idxv, mi)
                    return mv, mi

                mv, mi = body
                m = jnp.max(mv)
                nxt = jnp.min(jnp.where(mv == m, mi, jnp.int32(0x7FFFFFFF)))
                return jnp.broadcast_to(nxt, (_L,))

            plsc.store_scatter(o_v, [zeros], zeros, mask=lane0)
            v0x = plsc.load_gather(x_v, [lanes])
            v0y = plsc.load_gather(y_v, [lanes])
            v0z = plsc.load_gather(z_v, [lanes])
            a0 = (
                jnp.broadcast_to(jnp.sum(jnp.where(lane0, v0x, 0.0)), (_L,)),
                jnp.broadcast_to(jnp.sum(jnp.where(lane0, v0y, 0.0)), (_L,)),
                jnp.broadcast_to(jnp.sum(jnp.where(lane0, v0z, 0.0)), (_L,)),
            )
            nxt = one_pass(*a0, src=None, dst=da_v)
            plsc.store_scatter(o_v, [jnp.full((_L,), 1, jnp.int32)], nxt, mask=lane0)

            def step2(t, carry):
                i2 = 2 * t + 2
                nxt_a = one_pass(*carry, src=da_v, dst=db_v)
                pos_a = jnp.broadcast_to(i2, (_L,)).astype(jnp.int32)
                plsc.store_scatter(o_v, [pos_a], nxt_a, mask=lane0)
                nxt_b = one_pass(*coords(nxt_a), src=db_v, dst=da_v)
                pos_b = jnp.broadcast_to(i2 + 1, (_L,)).astype(jnp.int32)
                plsc.store_scatter(o_v, [pos_b], nxt_b, mask=lane0)
                return coords(nxt_b)

            lax.fori_loop(0, (_NS - 2) // 2, step2, coords(nxt))
            pltpu.sync_copy(o_v, out_hbm.at[b])

    return fps


_fps = _build_fps()


def kernel(pos, batch):
    del batch
    p = pos.reshape(_B, _M, 3)
    idx = _fps(p[:, :, 0], p[:, :, 1], p[:, :, 2])
    base = jnp.arange(_B, dtype=jnp.int32)[:, None] * _M
    return (base + idx).reshape(-1)

# --- scband reference (transcript-rebuilt; emitter-appended) ---
"""Pipeline reference for scband-fps-24850680775245 (READ-ONLY COPY).

The authoritative reference and input builder live on the scoring server;
editing this copy changes nothing except your own understanding.
"""

import jax, jax.numpy as jnp
import numpy as np

B = 16
M = 4096
RATIO = 0.25
NS = int(M * RATIO)  # 1024 samples per cloud


def setup_inputs(seed: int = 0) -> dict:
    key = jax.random.key(seed)
    pos = jax.random.normal(key, (B * M, 3), dtype=jnp.float32)
    # batch is a sorted vector of cloud ids (uniform cloud sizes, as produced by
    # standard point-cloud dataloaders that stack fixed-size clouds)
    batch = jnp.repeat(jnp.arange(B, dtype=jnp.int32), M)
    return {"pos": pos, "batch": batch}


def reference(pos, batch):
    # Farthest point sampling per cloud. random_first=False -> deterministic
    # start at the first point of each cloud (matching fps_cuda semantics).
    p = pos.reshape(B, M, 3)
    first_pt = p[:, 0, :]  # [B, 3]
    dists = jnp.sum((p - first_pt[:, None, :]) ** 2, axis=-1)  # [B, M]
    idxs = jnp.zeros((B, NS), dtype=jnp.int32)
    idxs = idxs.at[:, 0].set(0)

    def body(i, carry):
        dists, idxs = carry
        nxt = jnp.argmax(dists, axis=1)  # [B] farthest point so far
        idxs = idxs.at[:, i].set(nxt.astype(jnp.int32))
        newpt = jnp.take_along_axis(p, nxt[:, None, None].astype(jnp.int32), axis=1)  # [B,1,3]
        nd = jnp.sum((p - newpt) ** 2, axis=-1)  # [B, M]
        dists = jnp.minimum(dists, nd)
        return (dists, idxs)

    dists, idxs = jax.lax.fori_loop(1, NS, body, (dists, idxs))
    # convert per-cloud local indices to global row indices into pos (flat layout)
    global_idx = (jnp.arange(B, dtype=jnp.int32)[:, None] * M + idxs).reshape(-1)
    return global_idx

if __name__ == "__main__":
    import jax
    _d = setup_inputs()
    print(jax.jit(kernel)(*tuple(_d.values())))

</pallas_src>

<mosaic_0001>
#map = affine_map<(d0, d1) -> (0, 0)>
module attributes {stable_mosaic.version = 14 : i64} {
  func.func @fps(%arg0: i32, %arg1: i32, %arg2: memref<16x4096xf32, #tpu.memory_space<hbm>>, %arg3: memref<16x4096xf32, #tpu.memory_space<hbm>>, %arg4: memref<16x4096xf32, #tpu.memory_space<hbm>>, %arg5: memref<16x1024xi32, #tpu.memory_space<hbm>>, %arg6: memref<4096xf32, #tpu.memory_space<vmem>>, %arg7: memref<4096xf32, #tpu.memory_space<vmem>>, %arg8: memref<4096xf32, #tpu.memory_space<vmem>>, %arg9: memref<4096xf32, #tpu.memory_space<vmem>>, %arg10: memref<4096xf32, #tpu.memory_space<vmem>>, %arg11: memref<1024xi32, #tpu.memory_space<vmem>>) attributes {dimension_semantics = [#tpu.dimension_semantics<core_parallel>, #tpu.dimension_semantics<subcore_parallel>], iteration_bounds = array<i64: 2, 16>, scalar_prefetch = 0 : i64, scratch_operands = 6 : i64, tpu.core_type = #tpu.core_type<sc_vector_subcore>, window_params = [{transform_indices = #map}, {transform_indices = #map}, {transform_indices = #map}, {transform_indices = #map}]} {
    %mul3A = arith.constant 2 : i32
    %mul3A_0 = arith.muli %arg1, %mul3A : i32
    %add3A = arith.addi %mul3A_0, %arg0 : i32
    %lt3A = arith.constant 16 : i32
    %lt3A_1 = arith.cmpi slt, %add3A, %lt3A : i32
    %convert_element_type3A = arith.extui %lt3A_1 : i1 to i32
    %cond3A = arith.constant 0 : i32
    %cond3A_2 = arith.cmpi ne, %convert_element_type3A, %cond3A : i32
    scf.if %cond3A_2 {
      "tpu.region"() ({
        %run_scoped3A = tpu.sem_alloc : memref<!tpu.dma_semaphore, #tpu.memory_space<semaphore_mem>>
        %dma_start3A = arith.constant 0 : i32
        %dma_start3A_60 = tpu.memref_slice %arg2[%add3A, %dma_start3A] : memref<16x4096xf32, #tpu.memory_space<hbm>> -> memref<1x4096xf32, #tpu.memory_space<hbm>>
        %dma_start3A_61 = tpu.memref_squeeze %dma_start3A_60 : memref<1x4096xf32, #tpu.memory_space<hbm>> -> memref<4096xf32, #tpu.memory_space<hbm>>
        %dma_start3A_62 = arith.constant 0 : i32
        %dma_start3A_63 = tpu.memref_slice %arg2[%add3A, %dma_start3A_62] : memref<16x4096xf32, #tpu.memory_space<hbm>> -> memref<1x4096xf32, #tpu.memory_space<hbm>>
        %dma_start3A_64 = tpu.memref_squeeze %dma_start3A_63 : memref<1x4096xf32, #tpu.memory_space<hbm>> -> memref<4096xf32, #tpu.memory_space<hbm>>
        tpu.enqueue_dma source(%dma_start3A_64 : memref<4096xf32, #tpu.memory_space<hbm>>) target(%arg6 : memref<4096xf32, #tpu.memory_space<vmem>>) target_semaphore(%run_scoped3A : memref<!tpu.dma_semaphore, #tpu.memory_space<semaphore_mem>>)
        %dma_wait3A = arith.constant 0 : i32
        %dma_wait3A_65 = tpu.memref_slice %arg2[%add3A, %dma_wait3A] : memref<16x4096xf32, #tpu.memory_space<hbm>> -> memref<1x4096xf32, #tpu.memory_space<hbm>>
        %dma_wait3A_66 = tpu.memref_squeeze %dma_wait3A_65 : memref<1x4096xf32, #tpu.memory_space<hbm>> -> memref<4096xf32, #tpu.memory_space<hbm>>
        %dma_wait3A_67 = arith.constant 0 : i32
        %dma_wait3A_68 = tpu.memref_slice %arg2[%add3A, %dma_wait3A_67] : memref<16x4096xf32, #tpu.memory_space<hbm>> -> memref<1x4096xf32, #tpu.memory_space<hbm>>
        %dma_wait3A_69 = tpu.memref_squeeze %dma_wait3A_68 : memref<1x4096xf32, #tpu.memory_space<hbm>> -> memref<4096xf32, #tpu.memory_space<hbm>>
        tpu.wait_dma2 semaphore(%run_scoped3A : memref<!tpu.dma_semaphore, #tpu.memory_space<semaphore_mem>>) src(%dma_wait3A_69 : memref<4096xf32, #tpu.memory_space<hbm>>) dst(%arg6 : memref<4096xf32, #tpu.memory_space<vmem>>)
        tpu.yield
      }) : () -> ()
      "tpu.region"() ({
        %run_scoped3A = tpu.sem_alloc : memref<!tpu.dma_semaphore, #tpu.memory_space<semaphore_mem>>
        %dma_start3A = arith.constant 0 : i32
        %dma_start3A_60 = tpu.memref_slice %arg3[%add3A, %dma_start3A] : memref<16x4096xf32, #tpu.memory_space<hbm>> -> memref<1x4096xf32, #tpu.memory_space<hbm>>
        %dma_start3A_61 = tpu.memref_squeeze %dma_start3A_60 : memref<1x4096xf32, #tpu.memory_space<hbm>> -> memref<4096xf32, #tpu.memory_space<hbm>>
        %dma_start3A_62 = arith.constant 0 : i32
        %dma_start3A_63 = tpu.memref_slice %arg3[%add3A, %dma_start3A_62] : memref<16x4096xf32, #tpu.memory_space<hbm>> -> memref<1x4096xf32, #tpu.memory_space<hbm>>
        %dma_start3A_64 = tpu.memref_squeeze %dma_start3A_63 : memref<1x4096xf32, #tpu.memory_space<hbm>> -> memref<4096xf32, #tpu.memory_space<hbm>>
        tpu.enqueue_dma source(%dma_start3A_64 : memref<4096xf32, #tpu.memory_space<hbm>>) target(%arg7 : memref<4096xf32, #tpu.memory_space<vmem>>) target_semaphore(%run_scoped3A : memref<!tpu.dma_semaphore, #tpu.memory_space<semaphore_mem>>)
        %dma_wait3A = arith.constant 0 : i32
        %dma_wait3A_65 = tpu.memref_slice %arg3[%add3A, %dma_wait3A] : memref<16x4096xf32, #tpu.memory_space<hbm>> -> memref<1x4096xf32, #tpu.memory_space<hbm>>
        %dma_wait3A_66 = tpu.memref_squeeze %dma_wait3A_65 : memref<1x4096xf32, #tpu.memory_space<hbm>> -> memref<4096xf32, #tpu.memory_space<hbm>>
        %dma_wait3A_67 = arith.constant 0 : i32
        %dma_wait3A_68 = tpu.memref_slice %arg3[%add3A, %dma_wait3A_67] : memref<16x4096xf32, #tpu.memory_space<hbm>> -> memref<1x4096xf32, #tpu.memory_space<hbm>>
        %dma_wait3A_69 = tpu.memref_squeeze %dma_wait3A_68 : memref<1x4096xf32, #tpu.memory_space<hbm>> -> memref<4096xf32, #tpu.memory_space<hbm>>
        tpu.wait_dma2 semaphore(%run_scoped3A : memref<!tpu.dma_semaphore, #tpu.memory_space<semaphore_mem>>) src(%dma_wait3A_69 : memref<4096xf32, #tpu.memory_space<hbm>>) dst(%arg7 : memref<4096xf32, #tpu.memory_space<vmem>>)
        tpu.yield
      }) : () -> ()
      "tpu.region"() ({
        %run_scoped3A = tpu.sem_alloc : memref<!tpu.dma_semaphore, #tpu.memory_space<semaphore_mem>>
        %dma_start3A = arith.constant 0 : i32
        %dma_start3A_60 = tpu.memref_slice %arg4[%add3A, %dma_start3A] : memref<16x4096xf32, #tpu.memory_space<hbm>> -> memref<1x4096xf32, #tpu.memory_space<hbm>>
        %dma_start3A_61 = tpu.memref_squeeze %dma_start3A_60 : memref<1x4096xf32, #tpu.memory_space<hbm>> -> memref<4096xf32, #tpu.memory_space<hbm>>
        %dma_start3A_62 = arith.constant 0 : i32
        %dma_start3A_63 = tpu.memref_slice %arg4[%add3A, %dma_start3A_62] : memref<16x4096xf32, #tpu.memory_space<hbm>> -> memref<1x4096xf32, #tpu.memory_space<hbm>>
        %dma_start3A_64 = tpu.memref_squeeze %dma_start3A_63 : memref<1x4096xf32, #tpu.memory_space<hbm>> -> memref<4096xf32, #tpu.memory_space<hbm>>
        tpu.enqueue_dma source(%dma_start3A_64 : memref<4096xf32, #tpu.memory_space<hbm>>) target(%arg8 : memref<4096xf32, #tpu.memory_space<vmem>>) target_semaphore(%run_scoped3A : memref<!tpu.dma_semaphore, #tpu.memory_space<semaphore_mem>>)
        %dma_wait3A = arith.constant 0 : i32
        %dma_wait3A_65 = tpu.memref_slice %arg4[%add3A, %dma_wait3A] : memref<16x4096xf32, #tpu.memory_space<hbm>> -> memref<1x4096xf32, #tpu.memory_space<hbm>>
        %dma_wait3A_66 = tpu.memref_squeeze %dma_wait3A_65 : memref<1x4096xf32, #tpu.memory_space<hbm>> -> memref<4096xf32, #tpu.memory_space<hbm>>
        %dma_wait3A_67 = arith.constant 0 : i32
        %dma_wait3A_68 = tpu.memref_slice %arg4[%add3A, %dma_wait3A_67] : memref<16x4096xf32, #tpu.memory_space<hbm>> -> memref<1x4096xf32, #tpu.memory_space<hbm>>
        %dma_wait3A_69 = tpu.memref_squeeze %dma_wait3A_68 : memref<1x4096xf32, #tpu.memory_space<hbm>> -> memref<4096xf32, #tpu.memory_space<hbm>>
        tpu.wait_dma2 semaphore(%run_scoped3A : memref<!tpu.dma_semaphore, #tpu.memory_space<semaphore_mem>>) src(%dma_wait3A_69 : memref<4096xf32, #tpu.memory_space<hbm>>) dst(%arg8 : memref<4096xf32, #tpu.memory_space<vmem>>)
        tpu.yield
      }) : () -> ()
      %iota3A = tpu.iota {dimensions = array<i32: 0>} : vector<16xi32>
      %broadcast_in_dim3A = arith.constant 0 : i32
      %broadcast_in_dim3A_3 = vector.broadcast %broadcast_in_dim3A : i32 to vector<16xi32>
      %eq3A = arith.constant 0 : i32
      %eq3A_4 = vector.broadcast %eq3A : i32 to vector<16xi32>
      %eq3A_5 = arith.cmpi eq, %iota3A, %eq3A_4 : vector<16xi32>
      tpu.vector_store_idx %arg11[%broadcast_in_dim3A_3], %broadcast_in_dim3A_3 masked %eq3A_5 : memref<1024xi32, #tpu.memory_space<vmem>>[vector<16xi32>], vector<16xi32>, vector<16xi1>
      %gather3A = tpu.vector_load_idx %arg6[%iota3A] : memref<4096xf32, #tpu.memory_space<vmem>>[vector<16xi32>], vector<16xf32>,
      %gather3A_6 = tpu.vector_load_idx %arg7[%iota3A] : memref<4096xf32, #tpu.memory_space<vmem>>[vector<16xi32>], vector<16xf32>,
      %gather3A_7 = tpu.vector_load_idx %arg8[%iota3A] : memref<4096xf32, #tpu.memory_space<vmem>>[vector<16xi32>], vector<16xf32>,
      %jit3A = arith.constant 0.000000e+00 : f32
      %broadcast_in_dim3A_8 = vector.broadcast %jit3A : f32 to vector<16xf32>
      %select_n3A = arith.select %eq3A_5, %gather3A, %broadcast_in_dim3A_8 : vector<16xi1>, vector<16xf32>
      %reduce_sum3A = arith.constant true
      %reduce_sum3A_9 = vector.broadcast %reduce_sum3A : i1 to vector<16xi1>
      %reduce_sum3A_10 = tpu.scan <sum>, %select_n3A masked %reduce_sum3A_9 : vector<16xf32>, vector<16xi1> -> vector<16xf32>
      %reduce_sum3A_11 = vector.extract %reduce_sum3A_10[15] : f32 from vector<16xf32>
      %broadcast_in_dim3A_12 = vector.broadcast %reduce_sum3A_11 : f32 to vector<16xf32>
      %jit3A_13 = arith.constant 0.000000e+00 : f32
      %broadcast_in_dim3A_14 = vector.broadcast %jit3A_13 : f32 to vector<16xf32>
      %select_n3A_15 = arith.select %eq3A_5, %gather3A_6, %broadcast_in_dim3A_14 : vector<16xi1>, vector<16xf32>
      %reduce_sum3A_16 = arith.constant true
      %reduce_sum3A_17 = vector.broadcast %reduce_sum3A_16 : i1 to vector<16xi1>
      %reduce_sum3A_18 = tpu.scan <sum>, %select_n3A_15 masked %reduce_sum3A_17 : vector<16xf32>, vector<16xi1> -> vector<16xf32>
      %reduce_sum3A_19 = vector.extract %reduce_sum3A_18[15] : f32 from vector<16xf32>
      %broadcast_in_dim3A_20 = vector.broadcast %reduce_sum3A_19 : f32 to vector<16xf32>
      %jit3A_21 = arith.constant 0.000000e+00 : f32
      %broadcast_in_dim3A_22 = vector.broadcast %jit3A_21 : f32 to vector<16xf32>
      %select_n3A_23 = arith.select %eq3A_5, %gather3A_7, %broadcast_in_dim3A_22 : vector<16xi1>, vector<16xf32>
      %reduce_sum3A_24 = arith.constant true
      %reduce_sum3A_25 = vector.broadcast %reduce_sum3A_24 : i1 to vector<16xi1>
      %reduce_sum3A_26 = tpu.scan <sum>, %select_n3A_23 masked %reduce_sum3A_25 : vector<16xf32>, vector<16xi1> -> vector<16xf32>
      %reduce_sum3A_27 = vector.extract %reduce_sum3A_26[15] : f32 from vector<16xf32>
      %broadcast_in_dim3A_28 = vector.broadcast %reduce_sum3A_27 : f32 to vector<16xf32>
      %broadcast_in_dim3A_29 = arith.constant 0xFF800000 : f32
      %broadcast_in_dim3A_30 = vector.broadcast %broadcast_in_dim3A_29 : f32 to vector<16xf32>
      %parallel_loop3A = arith.constant 0 : i32
      %parallel_loop3A_31 = arith.constant 256 : i32
      %parallel_loop3A_32 = arith.constant 1 : i32
      %parallel_loop3A_33:2 = scf.for %parallel_loop3A_60 = %parallel_loop3A to %parallel_loop3A_31 step %parallel_loop3A_32 iter_args(%parallel_loop3A_61 = %broadcast_in_dim3A_30, %parallel_loop3A_62 = %broadcast_in_dim3A_3) -> (vector<16xf32>, vector<16xi32>)  : i32 {
        %parallel_loop3A_63 = arith.constant 16 : i32
        %parallel_loop3A_64 = arith.muli %parallel_loop3A_60, %parallel_loop3A_63 : i32
        %parallel_loop3A_65 = vector.broadcast %parallel_loop3A_64 : i32 to vector<16xi32>
        %parallel_loop3A_66 = arith.addi %parallel_loop3A_65, %iota3A : vector<16xi32>
        %parallel_loop3A_67 = tpu.vector_load_idx %arg6[%parallel_loop3A_66] : memref<4096xf32, #tpu.memory_space<vmem>>[vector<16xi32>], vector<16xf32>,
        %parallel_loop3A_68 = arith.subf %parallel_loop3A_67, %broadcast_in_dim3A_12 : vector<16xf32>
        %parallel_loop3A_69 = tpu.vector_load_idx %arg7[%parallel_loop3A_66] : memref<4096xf32, #tpu.memory_space<vmem>>[vector<16xi32>], vector<16xf32>,
        %parallel_loop3A_70 = arith.subf %parallel_loop3A_69, %broadcast_in_dim3A_20 : vector<16xf32>
        %parallel_loop3A_71 = tpu.vector_load_idx %arg8[%parallel_loop3A_66] : memref<4096xf32, #tpu.memory_space<vmem>>[vector<16xi32>], vector<16xf32>,
        %parallel_loop3A_72 = arith.subf %parallel_loop3A_71, %broadcast_in_dim3A_28 : vector<16xf32>
        %parallel_loop3A_73 = arith.mulf %parallel_loop3A_68, %parallel_loop3A_68 : vector<16xf32>
        %parallel_loop3A_74 = arith.mulf %parallel_loop3A_70, %parallel_loop3A_70 : vector<16xf32>
        %parallel_loop3A_75 = arith.addf %parallel_loop3A_73, %parallel_loop3A_74 : vector<16xf32>
        %parallel_loop3A_76 = arith.mulf %parallel_loop3A_72, %parallel_loop3A_72 : vector<16xf32>
        %parallel_loop3A_77 = arith.addf %parallel_loop3A_75, %parallel_loop3A_76 : vector<16xf32>
        tpu.vector_store_idx %arg9[%parallel_loop3A_66], %parallel_loop3A_77 : memref<4096xf32, #tpu.memory_space<vmem>>[vector<16xi32>], vector<16xf32>,
        %parallel_loop3A_78 = arith.cmpf ogt, %parallel_loop3A_77, %parallel_loop3A_61 : vector<16xf32>
        %parallel_loop3A_79 = arith.select %parallel_loop3A_78, %parallel_loop3A_77, %parallel_loop3A_61 : vector<16xi1>, vector<16xf32>
        %parallel_loop3A_80 = arith.select %parallel_loop3A_78, %parallel_loop3A_66, %parallel_loop3A_62 : vector<16xi1>, vector<16xi32>
        scf.yield %parallel_loop3A_79, %parallel_loop3A_80 : vector<16xf32>, vector<16xi32>
      } {sc.loop_unroll_factor = 8 : i64, sc.parallel_access}
      %reduce_max3A = arith.constant true
      %reduce_max3A_34 = vector.broadcast %reduce_max3A : i1 to vector<16xi1>
      %reduce_max3A_35 = tpu.scan <max>, %parallel_loop3A_33#0 masked %reduce_max3A_34 : vector<16xf32>, vector<16xi1> -> vector<16xf32>
      %reduce_max3A_36 = vector.extract %reduce_max3A_35[15] : f32 from vector<16xf32>
      %eq3A_37 = vector.broadcast %reduce_max3A_36 : f32 to vector<16xf32>
      %eq3A_38 = arith.cmpf oeq, %parallel_loop3A_33#0, %eq3A_37 : vector<16xf32>
      %jit3A_39 = arith.constant 2147483647 : i32
      %broadcast_in_dim3A_40 = vector.broadcast %jit3A_39 : i32 to vector<16xi32>
      %select_n3A_41 = arith.select %eq3A_38, %parallel_loop3A_33#1, %broadcast_in_dim3A_40 : vector<16xi1>, vector<16xi32>
      %reduce_min3A = arith.constant true
      %reduce_min3A_42 = vector.broadcast %reduce_min3A : i1 to vector<16xi1>
      %reduce_min3A_43 = arith.constant -2147483648 : i32
      %reduce_min3A_44 = vector.broadcast %reduce_min3A_43 : i32 to vector<16xi32>
      %reduce_min3A_45 = arith.xori %select_n3A_41, %reduce_min3A_44 : vector<16xi32>
      %reduce_min3A_46 = tpu.scan <min>, %reduce_min3A_45 masked %reduce_min3A_42 : vector<16xi32>, vector<16xi1> -> vector<16xi32>
      %reduce_min3A_47 = arith.xori %reduce_min3A_46, %reduce_min3A_44 : vector<16xi32>
      %reduce_min3A_48 = vector.extract %reduce_min3A_47[15] : i32 from vector<16xi32>
      %broadcast_in_dim3A_49 = vector.broadcast %reduce_min3A_48 : i32 to vector<16xi32>
      %broadcast_in_dim3A_50 = arith.constant 1 : i32
      %broadcast_in_dim3A_51 = vector.broadcast %broadcast_in_dim3A_50 : i32 to vector<16xi32>
      tpu.vector_store_idx %arg11[%broadcast_in_dim3A_51], %broadcast_in_dim3A_49 masked %eq3A_5 : memref<1024xi32, #tpu.memory_space<vmem>>[vector<16xi32>], vector<16xi32>, vector<16xi1>
      %gather3A_52 = tpu.vector_load_idx %arg6[%broadcast_in_dim3A_49] : memref<4096xf32, #tpu.memory_space<vmem>>[vector<16xi32>], vector<16xf32>,
      %gather3A_53 = tpu.vector_load_idx %arg7[%broadcast_in_dim3A_49] : memref<4096xf32, #tpu.memory_space<vmem>>[vector<16xi32>], vector<16xf32>,
      %gather3A_54 = tpu.vector_load_idx %arg8[%broadcast_in_dim3A_49] : memref<4096xf32, #tpu.memory_space<vmem>>[vector<16xi32>], vector<16xf32>,
      %scan3A = arith.constant 0 : i32
      %scan3A_55 = arith.constant 511 : i32
      %scan3A_56 = arith.addi %scan3A, %scan3A_55 : i32
      %scan3A_57 = arith.constant 1 : i32
      %scan3A_58:3 = scf.for %scan3A_60 = %scan3A to %scan3A_56 step %scan3A_57 iter_args(%scan3A_61 = %gather3A_52, %scan3A_62 = %gather3A_53, %scan3A_63 = %gather3A_54) -> (vector<16xf32>, vector<16xf32>, vector<16xf32>)  : i32 {
        %mul3A_64 = arith.constant 2 : i32
        %mul3A_65 = arith.muli %mul3A_64, %scan3A_60 : i32
        %add3A_66 = arith.constant 2 : i32
        %add3A_67 = arith.addi %mul3A_65, %add3A_66 : i32
        %broadcast_in_dim3A_68 = arith.constant 0xFF800000 : f32
        %broadcast_in_dim3A_69 = vector.broadcast %broadcast_in_dim3A_68 : f32 to vector<16xf32>
        %parallel_loop3A_70 = arith.constant 0 : i32
        %parallel_loop3A_71 = arith.constant 256 : i32
        %parallel_loop3A_72 = arith.constant 1 : i32
        %parallel_loop3A_73:2 = scf.for %parallel_loop3A_126 = %parallel_loop3A_70 to %parallel_loop3A_71 step %parallel_loop3A_72 iter_args(%parallel_loop3A_127 = %broadcast_in_dim3A_69, %parallel_loop3A_128 = %broadcast_in_dim3A_3) -> (vector<16xf32>, vector<16xi32>)  : i32 {
          %parallel_loop3A_129 = arith.constant 16 : i32
          %parallel_loop3A_130 = arith.muli %parallel_loop3A_126, %parallel_loop3A_129 : i32
          %parallel_loop3A_131 = vector.broadcast %parallel_loop3A_130 : i32 to vector<16xi32>
          %parallel_loop3A_132 = arith.addi %parallel_loop3A_131, %iota3A : vector<16xi32>
          %parallel_loop3A_133 = tpu.vector_load_idx %arg6[%parallel_loop3A_132] : memref<4096xf32, #tpu.memory_space<vmem>>[vector<16xi32>], vector<16xf32>,
          %parallel_loop3A_134 = arith.subf %parallel_loop3A_133, %scan3A_61 : vector<16xf32>
          %parallel_loop3A_135 = tpu.vector_load_idx %arg7[%parallel_loop3A_132] : memref<4096xf32, #tpu.memory_space<vmem>>[vector<16xi32>], vector<16xf32>,
          %parallel_loop3A_136 = arith.subf %parallel_loop3A_135, %scan3A_62 : vector<16xf32>
          %parallel_loop3A_137 = tpu.vector_load_idx %arg8[%parallel_loop3A_132] : memref<4096xf32, #tpu.memory_space<vmem>>[vector<16xi32>], vector<16xf32>,
          %parallel_loop3A_138 = arith.subf %parallel_loop3A_137, %scan3A_63 : vector<16xf32>
          %parallel_loop3A_139 = arith.mulf %parallel_loop3A_134, %parallel_loop3A_134 : vector<16xf32>
          %parallel_loop3A_140 = arith.mulf %parallel_loop3A_136, %parallel_loop3A_136 : vector<16xf32>
          %parallel_loop3A_141 = arith.addf %parallel_loop3A_139, %parallel_loop3A_140 : vector<16xf32>
          %parallel_loop3A_142 = arith.mulf %parallel_loop3A_138, %parallel_loop3A_138 : vector<16xf32>
          %parallel_loop3A_143 = arith.addf %parallel_loop3A_141, %parallel_loop3A_142 : vector<16xf32>
          %parallel_loop3A_144 = tpu.vector_load_idx %arg9[%parallel_loop3A_132] : memref<4096xf32, #tpu.memory_space<vmem>>[vector<16xi32>], vector<16xf32>,
          %parallel_loop3A_145 = arith.minimumf %parallel_loop3A_144, %parallel_loop3A_143 : vector<16xf32>
          tpu.vector_store_idx %arg10[%parallel_loop3A_132], %parallel_loop3A_145 : memref<4096xf32, #tpu.memory_space<vmem>>[vector<16xi32>], vector<16xf32>,
          %parallel_loop3A_146 = arith.cmpf ogt, %parallel_loop3A_145, %parallel_loop3A_127 : vector<16xf32>
          %parallel_loop3A_147 = arith.select %parallel_loop3A_146, %parallel_loop3A_145, %parallel_loop3A_127 : vector<16xi1>, vector<16xf32>
          %parallel_loop3A_148 = arith.select %parallel_loop3A_146, %parallel_loop3A_132, %parallel_loop3A_128 : vector<16xi1>, vector<16xi32>
          scf.yield %parallel_loop3A_147, %parallel_loop3A_148 : vector<16xf32>, vector<16xi32>
        } {sc.loop_unroll_factor = 8 : i64, sc.parallel_access}
        %reduce_max3A_74 = arith.constant true
        %reduce_max3A_75 = vector.broadcast %reduce_max3A_74 : i1 to vector<16xi1>
        %reduce_max3A_76 = tpu.scan <max>, %parallel_loop3A_73#0 masked %reduce_max3A_75 : vector<16xf32>, vector<16xi1> -> vector<16xf32>
        %reduce_max3A_77 = vector.extract %reduce_max3A_76[15] : f32 from vector<16xf32>
        %eq3A_78 = vector.broadcast %reduce_max3A_77 : f32 to vector<16xf32>
        %eq3A_79 = arith.cmpf oeq, %parallel_loop3A_73#0, %eq3A_78 : vector<16xf32>
        %jit3A_80 = arith.constant 2147483647 : i32
        %broadcast_in_dim3A_81 = vector.broadcast %jit3A_80 : i32 to vector<16xi32>
        %select_n3A_82 = arith.select %eq3A_79, %parallel_loop3A_73#1, %broadcast_in_dim3A_81 : vector<16xi1>, vector<16xi32>
        %reduce_min3A_83 = arith.constant true
        %reduce_min3A_84 = vector.broadcast %reduce_min3A_83 : i1 to vector<16xi1>
        %reduce_min3A_85 = arith.constant -2147483648 : i32
        %reduce_min3A_86 = vector.broadcast %reduce_min3A_85 : i32 to vector<16xi32>
        %reduce_min3A_87 = arith.xori %select_n3A_82, %reduce_min3A_86 : vector<16xi32>
        %reduce_min3A_88 = tpu.scan <min>, %reduce_min3A_87 masked %reduce_min3A_84 : vector<16xi32>, vector<16xi1> -> vector<16xi32>
        %reduce_min3A_89 = arith.xori %reduce_min3A_88, %reduce_min3A_86 : vector<16xi32>
        %reduce_min3A_90 = vector.extract %reduce_min3A_89[15] : i32 from vector<16xi32>
        %broadcast_in_dim3A_91 = vector.broadcast %reduce_min3A_90 : i32 to vector<16xi32>
        %broadcast_in_dim3A_92 = vector.broadcast %add3A_67 : i32 to vector<16xi32>
        tpu.vector_store_idx %arg11[%broadcast_in_dim3A_92], %broadcast_in_dim3A_91 masked %eq3A_5 : memref<1024xi32, #tpu.memory_space<vmem>>[vector<16xi32>], vector<16xi32>, vector<16xi1>
        %gather3A_93 = tpu.vector_load_idx %arg6[%broadcast_in_dim3A_91] : memref<4096xf32, #tpu.memory_space<vmem>>[vector<16xi32>], vector<16xf32>,
        %gather3A_94 = tpu.vector_load_idx %arg7[%broadcast_in_dim3A_91] : memref<4096xf32, #tpu.memory_space<vmem>>[vector<16xi32>], vector<16xf32>,
        %gather3A_95 = tpu.vector_load_idx %arg8[%broadcast_in_dim3A_91] : memref<4096xf32, #tpu.memory_space<vmem>>[vector<16xi32>], vector<16xf32>,
        %broadcast_in_dim3A_96 = arith.constant 0xFF800000 : f32
        %broadcast_in_dim3A_97 = vector.broadcast %broadcast_in_dim3A_96 : f32 to vector<16xf32>
        %parallel_loop3A_98 = arith.constant 0 : i32
        %parallel_loop3A_99 = arith.constant 256 : i32
        %parallel_loop3A_100 = arith.constant 1 : i32
        %parallel_loop3A_101:2 = scf.for %parallel_loop3A_126 = %parallel_loop3A_98 to %parallel_loop3A_99 step %parallel_loop3A_100 iter_args(%parallel_loop3A_127 = %broadcast_in_dim3A_97, %parallel_loop3A_128 = %broadcast_in_dim3A_3) -> (vector<16xf32>, vector<16xi32>)  : i32 {
          %parallel_loop3A_129 = arith.constant 16 : i32
          %parallel_loop3A_130 = arith.muli %parallel_loop3A_126, %parallel_loop3A_129 : i32
          %parallel_loop3A_131 = vector.broadcast %parallel_loop3A_130 : i32 to vector<16xi32>
          %parallel_loop3A_132 = arith.addi %parallel_loop3A_131, %iota3A : vector<16xi32>
          %parallel_loop3A_133 = tpu.vector_load_idx %arg6[%parallel_loop3A_132] : memref<4096xf32, #tpu.memory_space<vmem>>[vector<16xi32>], vector<16xf32>,
          %parallel_loop3A_134 = arith.subf %parallel_loop3A_133, %gather3A_93 : vector<16xf32>
          %parallel_loop3A_135 = tpu.vector_load_idx %arg7[%parallel_loop3A_132] : memref<4096xf32, #tpu.memory_space<vmem>>[vector<16xi32>], vector<16xf32>,
          %parallel_loop3A_136 = arith.subf %parallel_loop3A_135, %gather3A_94 : vector<16xf32>
          %parallel_loop3A_137 = tpu.vector_load_idx %arg8[%parallel_loop3A_132] : memref<4096xf32, #tpu.memory_space<vmem>>[vector<16xi32>], vector<16xf32>,
          %parallel_loop3A_138 = arith.subf %parallel_loop3A_137, %gather3A_95 : vector<16xf32>
          %parallel_loop3A_139 = arith.mulf %parallel_loop3A_134, %parallel_loop3A_134 : vector<16xf32>
          %parallel_loop3A_140 = arith.mulf %parallel_loop3A_136, %parallel_loop3A_136 : vector<16xf32>
          %parallel_loop3A_141 = arith.addf %parallel_loop3A_139, %parallel_loop3A_140 : vector<16xf32>
          %parallel_loop3A_142 = arith.mulf %parallel_loop3A_138, %parallel_loop3A_138 : vector<16xf32>
          %parallel_loop3A_143 = arith.addf %parallel_loop3A_141, %parallel_loop3A_142 : vector<16xf32>
          %parallel_loop3A_144 = tpu.vector_load_idx %arg10[%parallel_loop3A_132] : memref<4096xf32, #tpu.memory_space<vmem>>[vector<16xi32>], vector<16xf32>,
          %parallel_loop3A_145 = arith.minimumf %parallel_loop3A_144, %parallel_loop3A_143 : vector<16xf32>
          tpu.vector_store_idx %arg9[%parallel_loop3A_132], %parallel_loop3A_145 : memref<4096xf32, #tpu.memory_space<vmem>>[vector<16xi32>], vector<16xf32>,
          %parallel_loop3A_146 = arith.cmpf ogt, %parallel_loop3A_145, %parallel_loop3A_127 : vector<16xf32>
          %parallel_loop3A_147 = arith.select %parallel_loop3A_146, %parallel_loop3A_145, %parallel_loop3A_127 : vector<16xi1>, vector<16xf32>
          %parallel_loop3A_148 = arith.select %parallel_loop3A_146, %parallel_loop3A_132, %parallel_loop3A_128 : vector<16xi1>, vector<16xi32>
          scf.yield %parallel_loop3A_147, %parallel_loop3A_148 : vector<16xf32>, vector<16xi32>
        } {sc.loop_unroll_factor = 8 : i64, sc.parallel_access}
        %reduce_max3A_102 = arith.constant true
        %reduce_max3A_103 = vector.broadcast %reduce_max3A_102 : i1 to vector<16xi1>
        %reduce_max3A_104 = tpu.scan <max>, %parallel_loop3A_101#0 masked %reduce_max3A_103 : vector<16xf32>, vector<16xi1> -> vector<16xf32>
        %reduce_max3A_105 = vector.extract %reduce_max3A_104[15] : f32 from vector<16xf32>
        %eq3A_106 = vector.broadcast %reduce_max3A_105 : f32 to vector<16xf32>
        %eq3A_107 = arith.cmpf oeq, %parallel_loop3A_101#0, %eq3A_106 : vector<16xf32>
        %jit3A_108 = arith.constant 2147483647 : i32
        %broadcast_in_dim3A_109 = vector.broadcast %jit3A_108 : i32 to vector<16xi32>
        %select_n3A_110 = arith.select %eq3A_107, %parallel_loop3A_101#1, %broadcast_in_dim3A_109 : vector<16xi1>, vector<16xi32>
        %reduce_min3A_111 = arith.constant true
        %reduce_min3A_112 = vector.broadcast %reduce_min3A_111 : i1 to vector<16xi1>
        %reduce_min3A_113 = arith.constant -2147483648 : i32
        %reduce_min3A_114 = vector.broadcast %reduce_min3A_113 : i32 to vector<16xi32>
        %reduce_min3A_115 = arith.xori %select_n3A_110, %reduce_min3A_114 : vector<16xi32>
        %reduce_min3A_116 = tpu.scan <min>, %reduce_min3A_115 masked %reduce_min3A_112 : vector<16xi32>, vector<16xi1> -> vector<16xi32>
        %reduce_min3A_117 = arith.xori %reduce_min3A_116, %reduce_min3A_114 : vector<16xi32>
        %reduce_min3A_118 = vector.extract %reduce_min3A_117[15] : i32 from vector<16xi32>
        %broadcast_in_dim3A_119 = vector.broadcast %reduce_min3A_118 : i32 to vector<16xi32>
        %add3A_120 = arith.constant 1 : i32
        %add3A_121 = arith.addi %add3A_67, %add3A_120 : i32
        %broadcast_in_dim3A_122 = vector.broadcast %add3A_121 : i32 to vector<16xi32>
        tpu.vector_store_idx %arg11[%broadcast_in_dim3A_122], %broadcast_in_dim3A_119 masked %eq3A_5 : memref<1024xi32, #tpu.memory_space<vmem>>[vector<16xi32>], vector<16xi32>, vector<16xi1>
        %gather3A_123 = tpu.vector_load_idx %arg6[%broadcast_in_dim3A_119] : memref<4096xf32, #tpu.memory_space<vmem>>[vector<16xi32>], vector<16xf32>,
        %gather3A_124 = tpu.vector_load_idx %arg7[%broadcast_in_dim3A_119] : memref<4096xf32, #tpu.memory_space<vmem>>[vector<16xi32>], vector<16xf32>,
        %gather3A_125 = tpu.vector_load_idx %arg8[%broadcast_in_dim3A_119] : memref<4096xf32, #tpu.memory_space<vmem>>[vector<16xi32>], vector<16xf32>,
        scf.yield %gather3A_123, %gather3A_124, %gather3A_125 : vector<16xf32>, vector<16xf32>, vector<16xf32>
      }
      %scan3A_59 = arith.constant 511 : i32
      "tpu.region"() ({
        %run_scoped3A = tpu.sem_alloc : memref<!tpu.dma_semaphore, #tpu.memory_space<semaphore_mem>>
        %dma_start3A = arith.constant 0 : i32
        %dma_start3A_60 = tpu.memref_slice %arg5[%add3A, %dma_start3A] : memref<16x1024xi32, #tpu.memory_space<hbm>> -> memref<1x1024xi32, #tpu.memory_space<hbm>>
        %dma_start3A_61 = tpu.memref_squeeze %dma_start3A_60 : memref<1x1024xi32, #tpu.memory_space<hbm>> -> memref<1024xi32, #tpu.memory_space<hbm>>
        %dma_start3A_62 = arith.constant 0 : i32
        %dma_start3A_63 = tpu.memref_slice %arg5[%add3A, %dma_start3A_62] : memref<16x1024xi32, #tpu.memory_space<hbm>> -> memref<1x1024xi32, #tpu.memory_space<hbm>>
        %dma_start3A_64 = tpu.memref_squeeze %dma_start3A_63 : memref<1x1024xi32, #tpu.memory_space<hbm>> -> memref<1024xi32, #tpu.memory_space<hbm>>
        tpu.enqueue_dma source(%arg11 : memref<1024xi32, #tpu.memory_space<vmem>>) target(%dma_start3A_64 : memref<1024xi32, #tpu.memory_space<hbm>>) target_semaphore(%run_scoped3A : memref<!tpu.dma_semaphore, #tpu.memory_space<semaphore_mem>>)
        %dma_wait3A = arith.constant 0 : i32
        %dma_wait3A_65 = tpu.memref_slice %arg5[%add3A, %dma_wait3A] : memref<16x1024xi32, #tpu.memory_space<hbm>> -> memref<1x1024xi32, #tpu.memory_space<hbm>>
        %dma_wait3A_66 = tpu.memref_squeeze %dma_wait3A_65 : memref<1x1024xi32, #tpu.memory_space<hbm>> -> memref<1024xi32, #tpu.memory_space<hbm>>
        %dma_wait3A_67 = arith.constant 0 : i32
        %dma_wait3A_68 = tpu.memref_slice %arg5[%add3A, %dma_wait3A_67] : memref<16x1024xi32, #tpu.memory_space<hbm>> -> memref<1x1024xi32, #tpu.memory_space<hbm>>
        %dma_wait3A_69 = tpu.memref_squeeze %dma_wait3A_68 : memref<1x1024xi32, #tpu.memory_space<hbm>> -> memref<1024xi32, #tpu.memory_space<hbm>>
        tpu.wait_dma2 semaphore(%run_scoped3A : memref<!tpu.dma_semaphore, #tpu.memory_space<semaphore_mem>>) src(%arg11 : memref<1024xi32, #tpu.memory_space<vmem>>) dst(%dma_wait3A_69 : memref<1024xi32, #tpu.memory_space<hbm>>)
        tpu.yield
      }) : () -> ()
    } else {
    }
    return
  }
}

</mosaic_0001>

<sc_bundles>
// kernel: kernel.3.cloned.1.call-start
scs
__scs_entry_jumppad:
0x0: {  	(pc) =	sbr.rel $0x88, $3  }
0x1: {  	(tag) =	ssettag $0x0;
	lr =	simm.s32 $0x1  }
0x2: {  	[smem:$0x3FA0] =	sst lr;
	_ =	strace $0xD0000000  }
0x3: {  	_ = 	snop  }
0x4: {  	_ = 	snop  }
0x5: {  	_ = 	snop  }
0x6: {  	_ = 	snop  }
0x7: {  	_ = 	snop  }
__scs_overlays_trampoline_lowered:
0x8: {  	[smem:$0x3FAF] =	sst s0  }
0x9: {  	[smem:$0x3FB0] =	sst s1  }
0xa: {  	[smem:$0x3FB1] =	sst s2  }
0xb: {  	[smem:$0x3FB2] =	sst s3  }
0xc: {  	[smem:$0x3FB3] =	sst s4  }
0xd: {  	[smem:$0x3FB4] =	sst s5  }
0xe: {  	[smem:$0x3FB5] =	sst s6  }
0xf: {  	[smem:$0x3FB6] =	sst s7  }
0x10: {  	[smem:$0x3FB7] =	sst s8  }
0x11: {  	[smem:$0x3FB8] =	sst s9;
	s0 =	simm.s32 @!p0 $0x0  }
0x12: {  	s1 =	sld [smem:$0x3F9E];
	s0 =	simm.s32 @p0 $0x1  }
0x13: {  	[smem:$0x3FB9] =	sst s0;
	s0 =	simm.s32 @!p1 $0x0  }
0x14: {  	s2 =	sld [smem:$0x3F9D];
	s0 =	simm.s32 @p1 $0x1  }
0x15: {  	[smem:$0x3FBA] =	sst s0;
	s0 =	simm.s32 @!p2 $0x0  }
0x16: {  	s3 =	sld [smem:$0x3FDB];
	s0 =	simm.s32 @p2 $0x1  }
0x17: {  	s4 =	simm.s32 $0x1BF5;
	[smem:$0x3FBC] =	sst s0  }
0x18: {  	s0 =	sld [smem:$0x3F9F];
	_ =	swait.ge [sflag:s4], $0x0  }
0x19: {  	s7 =	sld [smem:$0x3FA0]  }
0x1a: {  	s8 =	sadd.s32 $0xFFFFE003, lr  }
0x1b: {  	s9 =	sadd.s32 $0xFFFFFEF7, lr;
	s5 =	simm.s32 $0xFFFFFFFF;
	p2 =	slt.u32 s8, $0xFFFFF086  }
0x1c: {  	p1 =	slt.u32 s9, $0xF7A;
	s5 =	simm.s32 @!p2 $0x0  }
0x1d: {  	s5 =	simm.s32 @p1 $0x1;
	p0 =	seq.s32 s7, s2  }
0x1e: {  	s7 =	smul.u32 @!p0 $0xF7A, s2;
	p2 =	seq.s32 @!p0 s5, $0x0  }
0x1f: {  	s9 =	smul.u32 $0xF7A, s1;
	s8 =	simm.s32 @!p0 $0x1BF5;
	p2 =	por !p2, p0  }
0x20: {  	[sflag:s8] =	ssyncset.s32 @!p0 $0xFFFFF086;
	s6 =	sadd.s32 @!p0 s3, s7;
	s7 =	simm.s32 @!p0 $0x108  }
0x21: {  	s3 =	sadd.s32 s3, s9;
	s6 =	sadd.s32 @!p0 $0x88, s6;
	s7 =	simm.s32 @p2 $0x1082  }
0x22: {  	[simem:s7], [sflag:s8] =	dma.local @!p0 [hbm:s6], $0xF7A  }
0x23: {  	s9 =	sor.u32 $0xD0000000, s2;
	s6 =	simm.s32 $0x108;
	_ =	swait.ge @!p0 [sflag:s8], $0x0  }
0x24: {  	s3 =	sadd.s32 $0x88, s3;
	s6 =	simm.s32 @!p1 $0x1082;
	[sflag:s4] =	ssyncset.s32 $0xFFFFF086  }
0x25: {  	[simem:s6], [sflag:s4] =	dma.local [hbm:s3], $0xF7A  }
0x26: {  	[smem:$0x3FA0] =	sst s1;
	(tag) =	ssettag s2;
	_ =	strace s9  }
0x27: {  	s1 =	sld [smem:$0x3FB0]  }
0x28: {  	s2 =	sld [smem:$0x3FB1]  }
0x29: {  	s4 =	sld [smem:$0x3FB3]  }
0x2a: {  	p0 =	seq.s32 s5, $0x0;
	s5 =	sld [smem:$0x3FB4]  }
0x2b: {  	s6 =	sld [smem:$0x3FB5]  }
0x2c: {  	s7 =	sld [smem:$0x3FB6]  }
0x2d: {  	s3 =	simm.s32 $0x108;
	s8 =	sld [smem:$0x3FB7]  }
0x2e: {  	s3 =	simm.s32 @!p0 $0x1082;
	s9 =	sld [smem:$0x3FB8]  }
0x2f: {  	lr =	sadd.s32 s0, s3;
	s0 =	sld [smem:$0x3FAF]  }
0x30: {  	s3 =	sld [smem:$0x3FB2]  }
0x31: {  	[smem:$0x3FBB] =	sst s10  }
0x32: {  	s10 =	sld [smem:$0x3FB9];
	_ =	sdelay $0x3  }
0x33: {  	p0 =	seq.s32 s10, $0x1;
	s10 =	sld [smem:$0x3FBB];
	_ =	sdelay $0x3  }
0x34: {  	[smem:$0x3FBB] =	sst s10  }
0x35: {  	s10 =	sld [smem:$0x3FBA];
	_ =	sdelay $0x3  }
0x36: {  	p1 =	seq.s32 s10, $0x1;
	s10 =	sld [smem:$0x3FBB];
	_ =	sdelay $0x3  }
0x37: {  	[smem:$0x3FBB] =	sst s10  }
0x38: {  	s10 =	sld [smem:$0x3FBC]  }
0x39: {  	_ = 	snop;
	(pc) =	sbr.ind lr, $3  }
0x3a: {  	_ = 	snop  }
0x3b: {  	_ = 	snop  }
0x3c: {  	p2 =	seq.s32 s10, $0x1;
	s10 =	sld [smem:$0x3FBB]  }
0x3d: {  	_ =	shalt  }
0x3e: {  	_ =	shalt  }
0x3f: {  	_ =	shalt  }
0x40: {  	_ =	shalt  }
0x41: {  	_ =	shalt  }
0x42: {  	_ =	shalt  }
0x43: {  	_ =	shalt  }
0x44: {  	_ =	shalt  }
0x45: {  	_ =	shalt  }
0x46: {  	_ =	shalt  }
0x47: {  	_ =	shalt  }
0x48: {  	_ =	shalt  }
0x49: {  	_ =	shalt  }
0x4a: {  	_ =	shalt  }
0x4b: {  	_ =	shalt  }
0x4c: {  	_ =	shalt  }
0x4d: {  	_ =	shalt  }
0x4e: {  	_ =	shalt  }
0x4f: {  	_ =	shalt  }
0x50: {  	_ =	shalt  }
0x51: {  	_ =	shalt  }
0x52: {  	_ =	shalt  }
0x53: {  	_ =	shalt  }
0x54: {  	_ =	shalt  }
0x55: {  	_ =	shalt  }
0x56: {  	_ =	shalt  }
0x57: {  	_ =	shalt  }
0x58: {  	_ =	shalt  }
0x59: {  	_ =	shalt  }
0x5a: {  	_ =	shalt  }
0x5b: {  	_ =	shalt  }
0x5c: {  	_ =	shalt  }
0x5d: {  	_ =	shalt  }
0x5e: {  	_ =	shalt  }
0x5f: {  	_ =	shalt  }
0x60: {  	_ =	shalt  }
0x61: {  	_ =	shalt  }
0x62: {  	_ =	shalt  }
0x63: {  	_ =	shalt  }
0x64: {  	_ =	shalt  }
0x65: {  	_ =	shalt  }
0x66: {  	_ =	shalt  }
0x67: {  	_ =	shalt  }
0x68: {  	_ =	shalt  }
0x69: {  	_ =	shalt  }
0x6a: {  	_ =	shalt  }
0x6b: {  	_ =	shalt  }
0x6c: {  	_ =	shalt  }
0x6d: {  	_ =	shalt  }
0x6e: {  	_ =	shalt  }
0x6f: {  	_ =	shalt  }
0x70: {  	_ =	shalt  }
0x71: {  	_ =	shalt  }
0x72: {  	_ =	shalt  }
0x73: {  	_ =	shalt  }
0x74: {  	_ =	shalt  }
0x75: {  	_ =	shalt  }
0x76: {  	_ =	shalt  }
0x77: {  	_ =	shalt  }
0x78: {  	_ =	shalt  }
0x79: {  	_ =	shalt  }
0x7a: {  	_ =	shalt  }
0x7b: {  	_ =	shalt  }
0x7c: {  	_ =	shalt  }
0x7d: {  	_ =	shalt  }
0x7e: {  	_ =	shalt  }
0x7f: {  	_ =	shalt  }
0x80: {  	_ =	shalt  }
0x81: {  	_ =	shalt  }
0x82: {  	_ =	shalt  }
0x83: {  	_ =	shalt  }
0x84: {  	_ =	shalt  }
0x85: {  	_ =	shalt  }
0x86: {  	_ =	shalt  }
0x87: {  	_ =	shalt  }
.Lfunc_end0:
.L_simem_size_0:
called_computation_lowered:
.L_overlay_start_0:
0x88: {  	s2 =	sld [smem:$0x3FD9]  }
0x89: {  	s3 =	sld [smem:$0x3FFE];
	_ =	sdelay $0x1  }
0x8a: {  	s1 =	srdreg.scid  }
0x8b: {  	s0 =	sand.u32 $0x1, s1  }
0x8c: {  	s17 =	sshll.u32 s0, $0xA;
	s2 =	sadd.s32 s3, s2  }
0x8d: {  	s2 =	sadd.s32 s2, s17  }
0x8e: {  	[smem:$0x3FC7] =	sst s2  }
0x8f: {  	_ = 	snop  }
0x90: {  	s2 =	sld [smem:$0x3FD0];
	(tm) =	ssettm $0x1  }
0x91: {  	s18 =	sld [smem:$0x3FFB];
	_ =	sdelay $0x3  }
0x92: {  	_ =	strace s18  }
0x93: {  	s3 =	sld [smem:$0x3FFC];
	_ =	sdelay $0x3  }
0x94: {  	_ =	strace s3  }
0x95: {  	s3 =	sld [smem:$0x3FFD];
	_ =	sdelay $0x3  }
0x96: {  	_ =	strace s3  }
0x97: {  	_ =	strace $0x8FFFFFFF  }
0x98: {  	s19 =	sld [smem:$0x3FDB];
	_ =	sdelay $0x1  }
0x99: {  	s4 =	simm.s32 $_scs_section_size  }
0x9a: {  	s5 =	simm.s32 $_size__tile_overlayer_lowered;
	s6 =	simm.s32 $_tile_overlayer_lowered  }
0x9b: {  	s22 =	simm.s32 $0x1BFF;
	s21 =	sshll.u32 s6, $0x1;
	s3 =	sadd.s32 s4, s19  }
0x9c: {  	s7 =	simm.s32 $0x0;
	s20 =	sshll.u32 s5, $0x1;
	s5 =	sadd.s32 s21, s3  }
0x9d: {  	[timem:s7], [sflag:s22] =	dma.local [hbm:s5], s20  }
0x9e: {  	_ =	swait.ge [sflag:s22], s20  }
0x9f: {  	s4 =	ssub.s32 $0x0, s20;
	[sflag:s22] =	ssyncset.done $0x0  }
0xa0: {  	[sflag:s22] =	ssyncadd.s32 s4;
	_ =	sdelay $0x1  }
0xa1: {  	s23 =	simm.s32 $0x1B8B  }
0xa2: {  	_ =	swait.ge [sflag:s23], $0x1  }
0xa3: {  	[sflag:s23] =	ssyncset.done $0x0  }
0xa4: {  	s25 =	simm.s32 $0x1B8E;
	s24 =	sld [smem:$0x3FFE];
	[sflag:s23] =	ssyncadd.s32 $0xFFFFFFFF  }
0xa5: {  	s26 =	simm.s32 $execute0_lowered;
	[smem:$0x3FD2] =	sst s25  }
0xa6: {  	s5 =	sshll.u32 s26, $0x1;
	_ =	strace $0x80000046;
	[dreg:$0x1] =	wrdreg $0xFFFFFFFF  }
0xa7: {  	s28 =	simm.s32 $_size_execute0_lowered;
	s3 =	sadd.s32 s3, s5;
	[dreg:$0x0] =	wrdreg $0x0  }
0xa8: {  	s5 =	sshll.u32 s28, $0x1;
	[dreg:$0x2] =	wrdreg s3  }
0xa9: {  	[dreg:$0x3] =	wrdreg s5  }
0xaa: {  	[dreg:$0x4] =	wrdreg $0xC0  }
0xab: {  	_ =	task [dreg:s7], $0x5FFFF  }
0xac: {  	[dreg:$0x1] =	wrdreg $0xFFFFFFFF  }
0xad: {  	[dreg:$0x0] =	wrdreg $0x60  }
0xae: {  	[dreg:$0x2] =	wrdreg s24  }
0xaf: {  	[dreg:$0x3] =	wrdreg s2  }
0xb0: {  	[dreg:$0x4] =	wrdreg $0x9  }
0xb1: {  	_ =	task.clear_ibuf [dreg:s7], $0x5FFFF;
	_ =	strace $0x90000046  }
0xb2: {  	s29 =	simm.s32 $0x9;
	_ =	strace $0x80000048  }
0xb3: {  	_ =	swait.ge [sflag:s29], $0x1  }
0xb4: {  	[sflag:s29] =	ssyncadd.s32 $0xFFFFFFFF  }
0xb5: {  	_ =	strace $0x90000048  }
0xb6: {  	_ =	sfence  }
0xb7: {  	s30 =	sld [smem:$0x0];
	_ =	sdelay $0x2  }
0xb8: {  	s31 =	sshll.u32 s1, $0xD;
	s1 =	sshrl.u32 s1, $0x2  }
0xb9: {  	s3 =	sand.u32 $0x4000, s31;
	s1 =	sadd.s32 s1, s30  }
0xba: {  	s0 =	sor.u32 s3, s0;
	s1 =	sshll.u32 s1, $0x11  }
0xbb: {  	s0 =	sor.u32 s1, s0  }
0xbc: {  	s0 =	sadd.s32 $0x8F2B, s0  }
0xbd: {  	[sflag:s0] =	ssyncadd.remote.s32 $0x1  }
0xbe: {  	_ =	sfence.sel $0xFFFF  }
0xbf: {  	[dreg:$0x0] =	wrdreg $0xFFFFFFFF;
	(pc) =	sbr.abs _section_cstart, $3  }
0xc0: {  	[dreg:$0x1] =	wrdreg $0xFFFFFFFF  }
0xc1: {  	_ =	task.clear_ibuf [dreg:s7], $0x2FFFF;
	_ =	strace $0x9FFFFFFF  }
0xc2: {  	(tm) =	ssettm $0x7FFFFFFF  }
0xc3: {  	_ =	shalt  }
tec
execute0_lowered:
.L_overlay_start_1:
0x0: {  	(tag) =	ssettag $0x1  }
0x1: {  	s1 =	stileid.u32  }
0x2: {  	p0 =	sgt.u32 s1, $0x7  }
.Ltmp0:
0x3: {  	_ = 	snop;
	(pc) =	sbr.rel @p0 .LBB2_11-.Ltmp0, $4  }
0x4: {  	s3 =	rddreg [dreg:$0x0]  }
0x5: {  	s5 =	rddreg [dreg:$0x1];
	s2 =	simm.s32 $0x0  }
0x6: {  	[smem:$0x7FF] =	sst s2  }
0x7: {  	s0 =	rddreg [dreg:$0x2];
	_ =	strace $0x80000047  }
0x8: {  	s4 =	srdreg.scid;
	s6 =	sshll.u32 s1, $0x8  }
0x9: {  	s7 =	sshrl.u32 s1, $0x2;
	s9 =	sadd.s32 $0x4600, s3;
	s12 =	simm.s32 $0x2000  }
0xa: {  	s13 =	simm.s32 $0x5000;
	s14 =	simm.s32 $0x3000;
	s15 =	simm.s32 $0x4000  }
0xb: {  	s16 =	simm.s32 $0x0;
	s4 =	sand.u32 $0x1, s4;
	s6 =	sand.u32 $0x300, s6  }
0xc: {  	s30 =	sshll.u32 s7, $0xF;
	s8 =	sshll.u32 s4, $0x7;
	s11 =	ssub.s32 $0x2, s4  }
0xd: {  	s7 =	sshll.u32 s7, $0xD;
	s6 =	sor.u32 s8, s6;
	s31 =	sshrl.u32 s11, $0x1  }
0xe: {  	s8 =	sor.u32 s30, s6;
	s6 =	sor.u32 s7, s6;
	s7 =	ssub.s32 s11, s31  }
0xf: {  	s11 =	simm.s32 $0x1000;
	s8 =	sshrl.u32 s8, $0x3;
	s6 =	sshrl.u32 s6, $0x3  }
0x10: {  	s7 =	smax.u32 s7, $0x1;
	s10 =	sadd.s32 s8, s3;
	s5 =	sadd.s32 s5, s6  }
0x11: {  	s6 =	sadd.s32 s9, s8;
	s8 =	simm.s32 $0x80;
	s9 =	simm.s32 $0x400  }
0x12: {  	vm0 =	vmmov $0x1;
	v0 =	vlaneseq.u32;
	v1 =	vimm.s32 $0x1;
	s3 =	sadd.s32 $0x2600, s10;
	s4 =	sadd.s32 $0x600, s10;
	s10 =	simm.s32 $0x1  }
.LBB2_2:
0x13: {  	[tilespmem:s2], [sflag:$0x1] =	stream.strided.gather [hbm4b:s6+s8], $0x1000, s9, s8, $0x38;
	[tilespmem:$0x5400] =	vst v63  }
0x14: {  	_ =	swait.ge [sflag:s10], $0x1000  }
0x15: {  	[sflag:s10] =	ssyncset.done $0x0  }
0x16: {  	[sflag:s10] =	ssyncadd.s32 $0xFFFFF000  }
0x17: {  	[tilespmem:s11], [sflag:$0x1] =	stream.strided.gather [hbm4b:s3+s8], $0x1000, s9, s8, $0x38;
	[tilespmem:$0x5400] =	vst v63  }
0x18: {  	_ =	swait.ge [sflag:s10], $0x1000  }
0x19: {  	[sflag:s10] =	ssyncset.done $0x0  }
0x1a: {  	v25 =	vimm.s32 $0x0;
	[sflag:s10] =	ssyncadd.s32 $0xFFFFF000  }
0x1b: {  	[tilespmem:s12], [sflag:$0x1] =	stream.strided.gather [hbm4b:s4+s8], $0x1000, s9, s8, $0x38;
	[tilespmem:$0x5400] =	vst v63  }
0x1c: {  	_ =	swait.ge [sflag:s10], $0x1000  }
0x1d: {  	[sflag:s10] =	ssyncset.done $0x0  }
0x1e: {  	[sflag:s10] =	ssyncadd.s32 $0xFFFFF000  }
0x1f: {  	[tilespmem:v25+s13+$0x0] =	vst.idx.msk $0x1, v25  }
0x20: {  	v2 =	vld.idx.msk [tilespmem:v0+s2+$0x0], $0xffff  }
0x21: {  	v3 =	vld.idx.msk [tilespmem:v0+s11+$0x0], $0xffff  }
0x22: {  	v4 =	vld.idx.msk [tilespmem:v0+s12+$0x0], $0xffff  }
0x23: {  	s17 =	simm.s32 $0x0  }
0x24: {  	s18 =	simm.s32 $0x20;
	v26 =	vor.u32 s17, v0  }
0x25: {  	s19 =	simm.s32 $0x40;
	v6 =	vor.u32 s18, v0;
	v2 =	vnsel vm0, $0x0, v2  }
0x26: {  	v5 =	vor.u32 s19, v0;
	v3 =	vnsel vm0, $0x0, v3;
	(xrf2) =	vadd.scan.msk.f32 $0xffff, v2  }
0x27: {  	(xrf2) =	vadd.scan.msk.f32 $0xffff, v3;
	v3 =	vnsel vm0, $0x0, v4  }
0x28: {  	s21 =	simm.s32 $0x30;
	(xrf2) =	vadd.scan.msk.f32 $0xffff, v3  }
0x29: {  	s31 =	simm.s32 $0x50;
	v8 =	vld.idx.msk [tilespmem:v26+s12+$0x0], $0xffff;
	v4 =	vor.u32 s21, v0  }
0x2a: {  	v12 =	vld.idx.msk [tilespmem:v6+s12+$0x0], $0xffff;
	v2 =	vor.u32 s31, v0  }
0x2b: {  	s20 =	simm.s32 $0x10;
	v13 =	vld.idx.msk [tilespmem:v5+s12+$0x0], $0xffff  }
0x2c: {  	v19 =	vld.idx.msk [tilespmem:v6+s2+$0x0], $0xffff;
	v3 =	vor.u32 s20, v0  }
0x2d: {  	v23 =	vld.idx.msk [tilespmem:v5+s2+$0x0], $0xffff  }
0x2e: {  	v18 =	vld.idx.msk [tilespmem:v4+s2+$0x0], $0xffff  }
0x2f: {  	v30 =	vld.idx.msk [tilespmem:v2+s11+$0x0], $0xffff  }
0x30: {  	s22 =	simm.s32 $0x60;
	v10 =	vld.idx.msk [tilespmem:v2+s12+$0x0], $0xffff;
	v9, _, _ =	vpop (xrf2)  }
0x31: {  	v17 =	vor.u32 s22, v0;
	v15 =	vld.idx.msk [tilespmem:v3+s12+$0x0], $0xffff;
	v11, _, _ =	vpop (xrf2);
	v9 =	vbroadcast v9, $0xF  }
0x32: {  	v20 =	vld.idx.msk [tilespmem:v6+s11+$0x0], $0xffff;
	v7, _, _ =	vpop (xrf2);
	v11 =	vbroadcast v11, $0xF  }
0x33: {  	v21 =	vld.idx.msk [tilespmem:v5+s11+$0x0], $0xffff;
	v7 =	vbroadcast v7, $0xF;
	v18 =	vsub.f32 v18, v9;
	v19 =	vsub.f32 v19, v9  }
0x34: {  	v24 =	vld.idx.msk [tilespmem:v26+s11+$0x0], $0xffff;
	v23 =	vsub.f32 v23, v9;
	v30 =	vsub.f32 v30, v11  }
0x35: {  	v14 =	vld.idx.msk [tilespmem:v2+s2+$0x0], $0xffff;
	v22 =	vsub.f32 v10, v7;
	v8 =	vsub.f32 v8, v7  }
0x36: {  	v38 =	vld.idx.msk [tilespmem:v17+s12+$0x0], $0xffff;
	v13 =	vsub.f32 v13, v7;
	v15 =	vsub.f32 v15, v7  }
0x37: {  	v16 =	vld.idx.msk [tilespmem:v4+s12+$0x0], $0xffff;
	v29 =	vmul.f32 v18, v18;
	v31 =	vmul.f32 v8, v8;
	v8 =	vsub.f32 v12, v7  }
0x38: {  	s24 =	simm.s32 $0xD0;
	v27 =	vld.idx.msk [tilespmem:v26+s2+$0x0], $0xffff;
	v28 =	vmul.f32 v13, v13;
	v13 =	vsub.f32 v20, v11;
	v20 =	vsub.f32 v21, v11  }
0x39: {  	v10 =	vld.idx.msk [tilespmem:v3+s2+$0x0], $0xffff;
	v12 =	vsub.f32 v24, v11;
	v35 =	vmul.f32 v8, v8;
	v8 =	vor.u32 s24, v0  }
0x3a: {  	s29 =	simm.s32 $0xB0;
	v18 =	vld.idx.msk [tilespmem:v4+s11+$0x0], $0xffff;
	v21 =	vmul.f32 v15, v15;
	v15 =	vmul.f32 v19, v19;
	v19 =	vsub.f32 v14, v9  }
0x3b: {  	v14 =	vld.idx.msk [tilespmem:v3+s11+$0x0], $0xffff;
	v13 =	vmul.f32 v13, v13;
	v37 =	vmul.f32 v12, v12;
	v12 =	vor.u32 s29, v0  }
0x3c: {  	s26 =	simm.s32 $0xC0;
	v57 =	vimm.f32 $-Inf;
	v32 =	vsub.f32 v16, v7;
	v38 =	vsub.f32 v38, v7;
	v24 =	vld.idx.msk [tilespmem:v17+s11+$0x0], $0xffff  }
0x3d: {  	s23 =	simm.s32 $0x80;
	v16 =	vor.u32 s26, v0;
	v34 =	vadd.f32 v13, v15;
	v13 =	vsub.f32 v27, v9;
	v27 =	vld.idx.msk [tilespmem:v17+s2+$0x0], $0xffff  }
0x3e: {  	v23 =	vmul.f32 v23, v23;
	v10 =	vsub.f32 v10, v9;
	v15 =	vor.u32 s23, v0;
	v54 =	vld.idx.msk [tilespmem:v8+s12+$0x0], $0xffff  }
0x3f: {  	s25 =	simm.s32 $0xA0;
	v50 =	vmul.f32 v22, v22;
	v58 =	vmul.f32 v38, v38;
	v18 =	vsub.f32 v18, v11;
	v55 =	vld.idx.msk [tilespmem:v8+s2+$0x0], $0xffff  }
0x40: {  	v33 =	vmul.f32 v10, v10;
	v10 =	vor.u32 s25, v0;
	v36 =	vmul.f32 v13, v13;
	v43 =	vld.idx.msk [tilespmem:v12+s12+$0x0], $0xffff  }
0x41: {  	s30 =	simm.s32 $0xE0;
	v39 =	vsub.f32 v14, v11;
	v40 =	vmul.f32 v18, v18;
	v18 =	vmul.f32 v20, v20;
	v59 =	vld.idx.msk [tilespmem:v12+s2+$0x0], $0xffff  }
0x42: {  	s28 =	simm.s32 $0x90;
	v14 =	vor.u32 s30, v0;
	v24 =	vsub.f32 v24, v11;
	v52 =	vld.idx.msk [tilespmem:v12+s11+$0x0], $0xffff;
	v20 =	vadd.f32 v37, v36  }
0x43: {  	v13 =	vor.u32 s28, v0;
	v22 =	vadd.f32 v35, v34;
	v39 =	vmul.f32 v39, v39;
	v53 =	vld.idx.msk [tilespmem:v15+s12+$0x0], $0xffff  }
0x44: {  	v24 =	vmul.f32 v24, v24;
	v27 =	vsub.f32 v27, v9;
	v44 =	vld.idx.msk [tilespmem:v15+s2+$0x0], $0xffff;
	v31 =	vadd.f32 v31, v20  }
0x45: {  	v20 =	vadd.f32 v18, v23;
	v18 =	vmul.f32 v19, v19;
	v19 =	vmul.f32 v30, v30;
	v23 =	vld.idx.msk [tilespmem:v16+s12+$0x0], $0xffff  }
0x46: {  	s31 =	simm.s32 $0x70;
	v29 =	vadd.f32 v40, v29;
	v30 =	vadd.f32 v39, v33;
	v60 =	vld.idx.msk [tilespmem:v10+s11+$0x0], $0xffff;
	v27 =	vmul.f32 v27, v27  }
0x47: {  	[tilespmem:v26+s14+$0x0] =	vst.idx.msk $0xffff, v31;
	v48 =	vadd.f32 v19, v18;
	v18 =	vor.u32 s31, v0;
	v19 =	vsub.f32 v54, v7  }
0x48: {  	v42 =	vld.idx.msk [tilespmem:v13+s12+$0x0], $0xffff;
	v20 =	vadd.f32 v28, v20;
	vm1 =	vgt.f32 v31, v57;
	v21 =	vadd.f32 v21, v30  }
0x49: {  	v28 =	vld.idx.msk [tilespmem:v16+s2+$0x0], $0xffff;
	v52 =	vsub.f32 v52, v11;
	v27 =	vadd.f32 v24, v27;
	v30 =	vsel vm1, v31, v57  }
0x4a: {  	v41 =	vld.idx.msk [tilespmem:v10+s12+$0x0], $0xffff;
	v31 =	vmul.f32 v32, v32;
	v25 =	vsel vm1, v26, v25;
	v32 =	vsub.f32 v55, v9  }
0x4b: {  	v24 =	vld.idx.msk [tilespmem:v16+s11+$0x0], $0xffff;
	v36 =	vsub.f32 v53, v7;
	vm2 =	vgt.f32 v21, v30;
	v40 =	vmul.f32 v52, v52  }
0x4c: {  	v61 =	vld.idx.msk [tilespmem:v10+s2+$0x0], $0xffff;
	v23 =	vsub.f32 v23, v7;
	v30 =	vsel vm2, v21, v30;
	v63 =	vsel vm2, v3, v25  }
0x4d: {  	v62 =	vld.idx.msk [tilespmem:v13+s2+$0x0], $0xffff;
	v57 =	vsub.f32 v60, v11;
	vm3 =	vgt.f32 v22, v30;
	v26 =	vsub.f32 v42, v7  }
0x4e: {  	v60 =	vld.idx.msk [tilespmem:v8+s11+$0x0], $0xffff;
	v38 =	vmul.f32 v36, v36;
	v23 =	vmul.f32 v23, v23;
	v46 =	vsub.f32 v28, v9  }
0x4f: {  	v56 =	vld.idx.msk [tilespmem:v18+s11+$0x0], $0xffff;
	v37 =	vsel vm3, v6, v63;
	v63 =	vsub.f32 v44, v9;
	v28 =	vadd.f32 v50, v48  }
0x50: {  	v30 =	vsel vm3, v22, v30;
	v35 =	vsub.f32 v24, v11;
	v24 =	vadd.f32 v31, v29;
	v29 =	vld.idx.msk [tilespmem:v18+s12+$0x0], $0xffff  }
0x51: {  	v45 =	vld.idx.msk [tilespmem:v18+s2+$0x0], $0xffff;
	v31 =	vadd.f32 v58, v27;
	v27 =	vsub.f32 v59, v9;
	v26 =	vmul.f32 v26, v26  }
0x52: {  	v58 =	vsub.f32 v61, v9;
	v59 =	vmul.f32 v57, v57;
	vm2 =	vgt.f32 v24, v30  }
0x53: {  	v39 =	vld.idx.msk [tilespmem:v15+s11+$0x0], $0xffff;
	v25 =	vmul.f32 v27, v27;
	[tilespmem:v17+s14+$0x0] =	vst.idx.msk $0xffff, v31;
	v27 =	vsub.f32 v43, v7  }
0x54: {  	v61 =	vld.idx.msk [tilespmem:v13+s11+$0x0], $0xffff;
	v33 =	vmul.f32 v58, v58;
	v44 =	vsub.f32 v60, v11;
	v53 =	vsub.f32 v56, v11  }
0x55: {  	v30 =	vsel vm2, v24, v30;
	v51 =	vsub.f32 v29, v7;
	v29 =	vsub.f32 v62, v9  }
0x56: {  	vm1 =	vgt.f32 v20, v30;
	v49 =	vsub.f32 v45, v9;
	v62 =	vsub.f32 v41, v7  }
0x57: {  	v42 =	vld.idx.msk [tilespmem:v14+s11+$0x0], $0xffff;
	v47 =	vsel vm1, v20, v30;
	v48 =	vmul.f32 v53, v53;
	v41 =	vmul.f32 v29, v29  }
0x58: {  	v43 =	vld.idx.msk [tilespmem:v14+s2+$0x0], $0xffff;
	v29 =	vadd.f32 v59, v33;
	v33 =	vsub.f32 v39, v11;
	v30 =	vmul.f32 v62, v62  }
0x59: {  	s17 =	simm.s32 $0xF0;
	s18 =	simm.s32 $0x8;
	s19 =	simm.s32 $0x170;
	v50 =	vsub.f32 v61, v11;
	v45 =	vmul.f32 v51, v51;
	v39 =	vld.idx.msk [tilespmem:v14+s12+$0x0], $0xffff;
	v51 =	vmul.f32 v63, v63  }
.LBB2_3:
0x5a: {  	s20 =	sadd.s32 $0xFFFFFF90, s19;
	s21 =	sadd.s32 $0xFFFFFFA0, s19;
	s22 =	sadd.s32 $0xFFFFFFB0, s19;
	v52 =	vmul.f32 v33, v33;
	v35 =	vmul.f32 v35, v35;
	vm3 =	vgt.f32 v28, v47;
	v53 =	vmovc v18  }
0x5b: {  	s23 =	sadd.s32 $0xFFFFFFF0, s19;
	v33 =	vor.u32 s20, v0;
	v18 =	vor.u32 s21, v0;
	s20 =	sadd.s32 $0xFFFFFFC0, s19;
	s21 =	sadd.s32 $0xFFFFFFE0, s19;
	[tilespmem:v4+s14+$0x0] =	vst.idx.msk $0xffff, v24;
	v24 =	vsel vm3, v28, v47  }
0x5c: {  	s24 =	sadd.s32 $0xFFFFFFD0, s19;
	s18 =	sadd.s32 $0x8, s18;
	v37 =	vsel vm2, v4, v37;
	v4 =	vmovc v12;
	v47 =	vor.u32 s21, v0;
	[tilespmem:v5+s14+$0x0] =	vst.idx.msk $0xffff, v20;
	v12 =	vor.u32 s20, v0  }
0x5d: {  	v54 =	vor.u32 s22, v0;
	v36 =	vor.u32 s24, v0;
	p0 =	slt.u32 s18, $0xF8;
	v20 =	vmul.f32 v49, v49;
	[tilespmem:v3+s14+$0x0] =	vst.idx.msk $0xffff, v21;
	v3 =	vmovc v13  }
0x5e: {  	v34 =	vor.u32 s23, v0;
	vm2 =	vgt.f32 v31, v24;
	v21 =	vadd.f32 v52, v51;
	[tilespmem:v6+s14+$0x0] =	vst.idx.msk $0xffff, v22  }
0x5f: {  	v24 =	vsel vm2, v31, v24;
	v13 =	vmovc v18;
	v6 =	vmul.f32 v46, v46;
	v22 =	vsub.f32 v42, v11  }
0x60: {  	v18 =	vmul.f32 v50, v50;
	v42 =	vsub.f32 v43, v9;
	v20 =	vadd.f32 v48, v20;
	v31 =	vld.idx.msk [tilespmem:v33+s12+$0x0], $0xffff  }
0x61: {  	v38 =	vadd.f32 v38, v21;
	v21 =	vmul.f32 v32, v32;
	v6 =	vadd.f32 v35, v6;
	v43 =	vld.idx.msk [tilespmem:v47+s12+$0x0], $0xffff  }
0x62: {  	v32 =	vadd.f32 v18, v41;
	v18 =	vmul.f32 v44, v44;
	v35 =	vmul.f32 v42, v42;
	v46 =	vld.idx.msk [tilespmem:v54+s12+$0x0], $0xffff  }
0x63: {  	v22 =	vmul.f32 v22, v22;
	v20 =	vadd.f32 v45, v20;
	v41 =	vld.idx.msk [tilespmem:v36+s12+$0x0], $0xffff;
	[tilespmem:v15+s14+$0x0] =	vst.idx.msk $0xffff, v38  }
0x64: {  	v5 =	vsel vm1, v5, v37;
	v50 =	vmul.f32 v19, v19;
	v48 =	vadd.f32 v18, v21;
	v42 =	vld.idx.msk [tilespmem:v47+s2+$0x0], $0xffff  }
0x65: {  	v5 =	vsel vm3, v2, v5;
	v44 =	vadd.f32 v22, v35;
	vm1 =	vgt.f32 v20, v24;
	v37 =	vld.idx.msk [tilespmem:v13+s12+$0x0], $0xffff  }
0x66: {  	v21 =	vsub.f32 v39, v7;
	v22 =	vsel vm1, v20, v24;
	v45 =	vld.idx.msk [tilespmem:v12+s12+$0x0], $0xffff;
	[tilespmem:v2+s14+$0x0] =	vst.idx.msk $0xffff, v28  }
0x67: {  	v5 =	vsel vm2, v17, v5;
	v18 =	vor.u32 s17, v0;
	s17 =	smov.u32 s19;
	v2 =	vmov v8;
	v24 =	vld.idx.msk [tilespmem:v36+s11+$0x0], $0xffff;
	[tilespmem:v53+s14+$0x0] =	vst.idx.msk $0xffff, v20  }
0x68: {  	v39 =	vsel vm1, v53, v5;
	v19 =	vsub.f32 v43, v7;
	v28 =	vmul.f32 v21, v21;
	v17 =	vld.idx.msk [tilespmem:v12+s2+$0x0], $0xffff  }
0x69: {  	v43 =	vsub.f32 v31, v7;
	v8 =	vmovc v47;
	v20 =	vadd.f32 v23, v6;
	v6 =	vmov v10;
	v49 =	vld.idx.msk [tilespmem:v36+s2+$0x0], $0xffff  }
0x6a: {  	vm1 =	vgt.f32 v38, v22;
	v21 =	vadd.f32 v26, v32;
	v23 =	vadd.f32 v40, v25;
	v47 =	vld.idx.msk [tilespmem:v54+s2+$0x0], $0xffff  }
0x6b: {  	v27 =	vmul.f32 v27, v27;
	v5 =	vmovc v16;
	v26 =	vsel vm1, v38, v22;
	v10 =	vmov v54;
	v25 =	vld.idx.msk [tilespmem:v54+s11+$0x0], $0xffff  }
0x6c: {  	v22 =	vadd.f32 v30, v29;
	v31 =	vsub.f32 v41, v7;
	vm2 =	vgt.f32 v21, v26;
	v16 =	vld.idx.msk [tilespmem:v33+s11+$0x0], $0xffff  }
0x6d: {  	v26 =	vsel vm2, v21, v26;
	v35 =	vsub.f32 v24, v11;
	v24 =	vadd.f32 v27, v23;
	v27 =	vld.idx.msk [tilespmem:v18+s12+$0x0], $0xffff  }
0x6e: {  	vm3 =	vgt.f32 v22, v26;
	v23 =	vmul.f32 v31, v31;
	v31 =	vadd.f32 v28, v44;
	v40 =	vld.idx.msk [tilespmem:v33+s2+$0x0], $0xffff  }
0x6f: {  	v15 =	vsel vm1, v15, v39;
	v29 =	vsel vm3, v22, v26;
	v17 =	vsub.f32 v17, v9;
	v28 =	vld.idx.msk [tilespmem:v13+s2+$0x0], $0xffff  }
0x70: {  	v15 =	vsel vm2, v3, v15;
	v26 =	vsub.f32 v37, v7;
	vm2 =	vgt.f32 v24, v29;
	v30 =	vld.idx.msk [tilespmem:v18+s11+$0x0], $0xffff  }
0x71: {  	v37 =	vsub.f32 v25, v11;
	v25 =	vmul.f32 v17, v17;
	[tilespmem:v14+s14+$0x0] =	vst.idx.msk $0xffff, v31;
	v17 =	vld.idx.msk [tilespmem:v18+s2+$0x0], $0xffff  }
0x72: {  	v32 =	vsub.f32 v42, v9;
	v26 =	vmul.f32 v26, v26;
	v29 =	vsel vm2, v24, v29;
	v42 =	vld.idx.msk [tilespmem:v34+s11+$0x0], $0xffff  }
0x73: {  	v39 =	vsub.f32 v47, v9;
	v44 =	vmul.f32 v37, v37;
	v52 =	vsub.f32 v27, v7;
	v51 =	vld.idx.msk [tilespmem:v12+s11+$0x0], $0xffff  }
0x74: {  	v38 =	vmul.f32 v43, v43;
	vm1 =	vgt.f32 v20, v29;
	v27 =	vsub.f32 v45, v7;
	v53 =	vld.idx.msk [tilespmem:v8+s11+$0x0], $0xffff  }
0x75: {  	v39 =	vmul.f32 v39, v39;
	v37 =	vsel vm3, v6, v15;
	v28 =	vsub.f32 v28, v9;
	v54 =	vld.idx.msk [tilespmem:v13+s11+$0x0], $0xffff  }
0x76: {  	v47 =	vsel vm1, v20, v29;
	v45 =	vsub.f32 v46, v7;
	v55 =	vsub.f32 v30, v11;
	v43 =	vld.idx.msk [tilespmem:v34+s2+$0x0], $0xffff  }
.Ltmp1:
0x77: {  	v46 =	vsub.f32 v49, v9;
	v15 =	vmovc v33;
	v29 =	vadd.f32 v44, v39;
	v41 =	vmul.f32 v28, v28;
	(pc) =	sbr.rel @p0 .LBB2_3-.Ltmp1, $4  }
0x78: {  	v33 =	vsub.f32 v16, v11;
	v16 =	vmovc v36;
	v30 =	vmul.f32 v45, v45;
	v49 =	vsub.f32 v17, v9  }
0x79: {  	v36 =	vsub.f32 v40, v9;
	v45 =	vmul.f32 v52, v52;
	v17 =	vmovc v14;
	v40 =	vsub.f32 v51, v11  }
0x7a: {  	v28 =	vadd.f32 v50, v48;
	v48 =	vmul.f32 v55, v55;
	v44 =	vsub.f32 v53, v11;
	v39 =	vld.idx.msk [tilespmem:v34+s12+$0x0], $0xffff  }
0x7b: {  	s19 =	sadd.s32 $0x80, s19;
	v14 =	vmovc v34;
	v51 =	vmul.f32 v36, v36;
	v50 =	vsub.f32 v54, v11;
	v40 =	vmul.f32 v40, v40  }
0x7c: {  	v34 =	vmul.f32 v49, v49  }
0x7d: {  	v33 =	vmul.f32 v33, v33  }
0x7e: {  	vm3 =	vgt.f32 v28, v47;
	v35 =	vmul.f32 v35, v35;
	v34 =	vadd.f32 v48, v34  }
0x7f: {  	v46 =	vmul.f32 v46, v46;
	v42 =	vsub.f32 v42, v11;
	v32 =	vmul.f32 v32, v32  }
0x80: {  	v36 =	vsel vm3, v28, v47;
	v34 =	vadd.f32 v45, v34;
	v45 =	vor.u32 s17, v0  }
0x81: {  	v63 =	vmul.f32 v50, v50;
	v33 =	vadd.f32 v33, v51;
	vm4 =	vgt.f32 v31, v36  }
0x82: {  	v49 =	vmul.f32 v44, v44;
	v27 =	vmul.f32 v27, v27;
	v31 =	vsel vm4, v31, v36  }
0x83: {  	v47 =	vadd.f32 v63, v41;
	v33 =	vadd.f32 v38, v33;
	vm5 =	vgt.f32 v34, v31  }
0x84: {  	v29 =	vadd.f32 v30, v29;
	v19 =	vmul.f32 v19, v19;
	v31 =	vsel vm5, v34, v31  }
0x85: {  	v25 =	vadd.f32 v40, v25;
	v26 =	vadd.f32 v26, v47;
	vm6 =	vgt.f32 v33, v31;
	v50 =	vld.idx.msk [tilespmem:v45+s11+$0x0], $0xffff  }
0x86: {  	v48 =	vsub.f32 v43, v9;
	v35 =	vadd.f32 v35, v46;
	v31 =	vsel vm6, v33, v31;
	v51 =	vld.idx.msk [tilespmem:v45+s2+$0x0], $0xffff  }
0x87: {  	v52 =	vmul.f32 v42, v42;
	v32 =	vadd.f32 v49, v32;
	v53 =	vld.idx.msk [tilespmem:v45+s12+$0x0], $0xffff;
	vm7 =	vgt.f32 v26, v31  }
0x88: {  	v25 =	vadd.f32 v27, v25;
	v55 =	vsub.f32 v39, v7;
	v31 =	vsel vm7, v26, v31  }
0x89: {  	v38 =	vmul.f32 v48, v48;
	v23 =	vadd.f32 v23, v35;
	vm8 =	vgt.f32 v29, v31  }
0x8a: {  	v19 =	vadd.f32 v19, v32;
	v58 =	vmul.f32 v55, v55;
	v31 =	vsel vm8, v29, v31  }
0x8b: {  	vm9 =	vgt.f32 v25, v31;
	v56 =	vsub.f32 v50, v11;
	v57 =	vsub.f32 v51, v9  }
0x8c: {  	v54 =	vadd.f32 v52, v38;
	v7 =	vsub.f32 v53, v7;
	v31 =	vsel vm9, v25, v31  }
0x8d: {  	vm10 =	vgt.f32 v23, v31;
	v11 =	vmul.f32 v56, v56;
	v9 =	vmul.f32 v57, v57  }
0x8e: {  	v27 =	vadd.f32 v58, v54;
	v59 =	vsel vm10, v23, v31  }
0x8f: {  	v7 =	vmul.f32 v7, v7;
	vm11 =	vgt.f32 v19, v59;
	v9 =	vadd.f32 v11, v9  }
0x90: {  	v60 =	vsel vm11, v19, v59  }
0x91: {  	v61 =	vsel vm2, v4, v37;
	vm2 =	vgt.f32 v27, v60;
	v7 =	vadd.f32 v7, v9  }
0x92: {  	v62 =	vsel vm1, v5, v61;
	v11 =	vsel vm2, v27, v60  }
0x93: {  	v9 =	vsel vm3, v2, v62;
	vm1 =	vgt.f32 v7, v11  }
0x94: {  	v9 =	vsel vm4, v17, v9;
	v11 =	vsel vm1, v7, v11  }
0x95: {  	v9 =	vsel vm5, v18, v9;
	(xrf0) =	vmax.scan.msk.f32 $0xffff, v11  }
0x96: {  	v9 =	vsel vm6, v15, v9  }
0x97: {  	v9 =	vsel vm7, v13, v9  }
0x98: {  	v9 =	vsel vm8, v10, v9  }
0x99: {  	v9 =	vsel vm9, v12, v9  }
0x9a: {  	v9 =	vsel vm10, v16, v9  }
0x9b: {  	v9 =	vsel vm11, v8, v9;
	v63, _, _ =	vpop (xrf0)  }
0x9c: {  	v9 =	vsel vm2, v14, v9;
	v17 =	vbroadcast v63, $0xF  }
0x9d: {  	v9 =	vsel vm1, v45, v9  }
0x9e: {  	v9 =	vxor.u32 $0x80000000, v9;
	vm1 =	veq.f32 v11, v17  }
0x9f: {  	v9 =	vnsel vm1, $0xFFFFFFFF, v9  }
0xa0: {  	(xrf0) =	vmin.scan.msk.u32 $0xffff, v9;
	_ =	sdelay $0x5  }
0xa1: {  	v9, _, _ =	vpop (xrf0)  }
0xa2: {  	(v2sf) =	vpush v9, $0xF;
	_ =	sdelay $0x6  }
0xa3: {  	[tilespmem:v4+s14+$0x0] =	vst.idx.msk $0xffff, v24  }
0xa4: {  	[tilespmem:v5+s14+$0x0] =	vst.idx.msk $0xffff, v20  }
0xa5: {  	[tilespmem:v3+s14+$0x0] =	vst.idx.msk $0xffff, v21  }
0xa6: {  	[tilespmem:v6+s14+$0x0] =	vst.idx.msk $0xffff, v22  }
0xa7: {  	[tilespmem:v2+s14+$0x0] =	vst.idx.msk $0xffff, v28  }
0xa8: {  	[tilespmem:v10+s14+$0x0] =	vst.idx.msk $0xffff, v29  }
0xa9: {  	[tilespmem:v12+s14+$0x0] =	vst.idx.msk $0xffff, v25  }
0xaa: {  	[tilespmem:v15+s14+$0x0] =	vst.idx.msk $0xffff, v33  }
0xab: {  	[tilespmem:v18+s14+$0x0] =	vst.idx.msk $0xffff, v34;
	s31 =	spop (v2sf)  }
0xac: {  	[tilespmem:v16+s14+$0x0] =	vst.idx.msk $0xffff, v23;
	s17 =	sxor.u32 $0x80000000, s31  }
0xad: {  	[tilespmem:v8+s14+$0x0] =	vst.idx.msk $0xffff, v19;
	v2 =	vmov s17  }
0xae: {  	[tilespmem:v13+s14+$0x0] =	vst.idx.msk $0xffff, v26  }
0xaf: {  	[tilespmem:v14+s14+$0x0] =	vst.idx.msk $0xffff, v27  }
0xb0: {  	[tilespmem:v45+s14+$0x0] =	vst.idx.msk $0xffff, v7  }
0xb1: {  	s17 =	simm.s32 $0x0;
	[tilespmem:v1+s13+$0x0] =	vst.idx.msk $0x1, v2  }
0xb2: {  	v5 =	vld.idx.msk [tilespmem:v2+s17+$0x0], $0xffff  }
0xb3: {  	v4 =	vld.idx.msk [tilespmem:v2+s12+$0x0], $0xffff  }
0xb4: {  	v6 =	vld.idx.msk [tilespmem:v2+s11+$0x0], $0xffff  }
.LBB2_5:
0xb5: {  	s18 =	simm.s32 $0x10  }
0xb6: {  	v10 =	vor.u32 s18, v0;
	_ =	sdelay $0x1  }
0xb7: {  	s24 =	simm.s32 $0x0  }
0xb8: {  	v11 =	vor.u32 s24, v0;
	_ =	sdelay $0x1  }
0xb9: {  	v7 =	vld.idx.msk [tilespmem:v10+s12+$0x0], $0xffff  }
0xba: {  	s25 =	simm.s32 $0x20;
	v2 =	vld.idx.msk [tilespmem:v10+s11+$0x0], $0xffff  }
0xbb: {  	v14 =	vor.u32 s25, v0;
	v8 =	vld.idx.msk [tilespmem:v10+s2+$0x0], $0xffff  }
0xbc: {  	s26 =	simm.s32 $0x30;
	v9 =	vld.idx.msk [tilespmem:v11+s12+$0x0], $0xffff  }
0xbd: {  	v3 =	vor.u32 s26, v0;
	v12 =	vld.idx.msk [tilespmem:v11+s11+$0x0], $0xffff  }
0xbe: {  	v13 =	vld.idx.msk [tilespmem:v11+s2+$0x0], $0xffff  }
0xbf: {  	v15 =	vld.idx.msk [tilespmem:v10+s14+$0x0], $0xffff  }
0xc0: {  	v18 =	vld.idx.msk [tilespmem:v14+s2+$0x0], $0xffff  }
0xc1: {  	s28 =	simm.s32 $0x40;
	v22 =	vimm.f32 $-Inf;
	v17 =	vld.idx.msk [tilespmem:v14+s12+$0x0], $0xffff;
	v16 =	vsub.f32 v2, v6  }
0xc2: {  	v19 =	vld.idx.msk [tilespmem:v3+s12+$0x0], $0xffff;
	v8 =	vsub.f32 v8, v5;
	v2 =	vor.u32 s28, v0;
	v7 =	vsub.f32 v7, v4  }
0xc3: {  	v27 =	vimm.s32 $0x0;
	v20 =	vld.idx.msk [tilespmem:v14+s11+$0x0], $0xffff;
	v12 =	vsub.f32 v12, v6;
	v13 =	vsub.f32 v13, v5  }
0xc4: {  	v21 =	vld.idx.msk [tilespmem:v3+s11+$0x0], $0xffff;
	v9 =	vsub.f32 v9, v4;
	v16 =	vmul.f32 v16, v16;
	v8 =	vmul.f32 v8, v8  }
0xc5: {  	s29 =	simm.s32 $0x60;
	v23 =	vld.idx.msk [tilespmem:v3+s2+$0x0], $0xffff;
	v18 =	vsub.f32 v18, v5;
	v12 =	vmul.f32 v12, v12;
	v13 =	vmul.f32 v13, v13  }
0xc6: {  	s31 =	simm.s32 $0x70;
	v25 =	vld.idx.msk [tilespmem:v11+s14+$0x0], $0xffff;
	v7 =	vmul.f32 v7, v7;
	v16 =	vadd.f32 v16, v8;
	v8 =	vor.u32 s29, v0  }
0xc7: {  	v24 =	vmul.f32 v9, v9;
	v9 =	vor.u32 s31, v0;
	v12 =	vadd.f32 v12, v13;
	v26 =	vld.idx.msk [tilespmem:v2+s12+$0x0], $0xffff  }
0xc8: {  	s30 =	simm.s32 $0x50;
	v18 =	vmul.f32 v18, v18;
	v13 =	vsub.f32 v17, v4;
	v17 =	vsub.f32 v20, v6;
	v20 =	vld.idx.msk [tilespmem:v2+s11+$0x0], $0xffff  }
0xc9: {  	v29 =	vld.idx.msk [tilespmem:v2+s2+$0x0], $0xffff;
	v16 =	vadd.f32 v7, v16;
	v7 =	vor.u32 s30, v0;
	v12 =	vadd.f32 v24, v12  }
0xca: {  	v19 =	vsub.f32 v19, v4;
	v24 =	vld.idx.msk [tilespmem:v14+s14+$0x0], $0xffff;
	v28 =	vmul.f32 v13, v13;
	v17 =	vmul.f32 v17, v17  }
0xcb: {  	v13 =	vsub.f32 v21, v6;
	v30 =	vmin.f32 v15, v16;
	v31 =	vmin.f32 v25, v12;
	v32 =	vld.idx.msk [tilespmem:v8+s11+$0x0], $0xffff  }
0xcc: {  	v12 =	vsub.f32 v23, v5;
	v16 =	vadd.f32 v17, v18;
	vm1 =	vgt.f32 v31, v22;
	v25 =	vld.idx.msk [tilespmem:v8+s12+$0x0], $0xffff  }
0xcd: {  	v15 =	vmul.f32 v19, v19;
	[tilespmem:v11+s15+$0x0] =	vst.idx.msk $0xffff, v31;
	v19 =	vsel vm1, v11, v27;
	v27 =	vld.idx.msk [tilespmem:v9+s11+$0x0], $0xffff  }
0xce: {  	[tilespmem:v10+s15+$0x0] =	vst.idx.msk $0xffff, v30;
	v17 =	vsel vm1, v31, v22;
	v22 =	vsub.f32 v26, v4;
	v33 =	vld.idx.msk [tilespmem:v7+s12+$0x0], $0xffff  }
0xcf: {  	v16 =	vadd.f32 v28, v16;
	v20 =	vsub.f32 v20, v6;
	v18 =	vld.idx.msk [tilespmem:v7+s2+$0x0], $0xffff;
	vm1 =	vgt.f32 v30, v17  }
0xd0: {  	v21 =	vmul.f32 v12, v12;
	v23 =	vsel vm1, v30, v17;
	v26 =	vsel vm1, v10, v19;
	v19 =	vld.idx.msk [tilespmem:v7+s11+$0x0], $0xffff  }
0xd1: {  	v16 =	vmin.f32 v24, v16;
	v24 =	vsub.f32 v29, v5;
	v17 =	vld.idx.msk [tilespmem:v8+s2+$0x0], $0xffff;
	v12 =	vmul.f32 v20, v20  }
0xd2: {  	v28 =	vmul.f32 v22, v22;
	v22 =	vld.idx.msk [tilespmem:v9+s12+$0x0], $0xffff;
	[tilespmem:v14+s15+$0x0] =	vst.idx.msk $0xffff, v16;
	vm1 =	vgt.f32 v16, v23  }
0xd3: {  	v16 =	vsel vm1, v16, v23;
	v23 =	vld.idx.msk [tilespmem:v2+s14+$0x0], $0xffff;
	v11 =	vmul.f32 v24, v24;
	v20 =	vsub.f32 v32, v6  }
0xd4: {  	s19 =	simm.s32 $0xF0;
	s18 =	simm.s32 $0x0;
	v14 =	vsel vm1, v14, v26;
	v24 =	vld.idx.msk [tilespmem:v9+s2+$0x0], $0xffff;
	v27 =	vsub.f32 v27, v6;
	v26 =	vsub.f32 v33, v4  }
.LBB2_6:
0xd5: {  	s20 =	sadd.s32 $0xFFFFFF90, s19;
	s21 =	sadd.s32 $0xFFFFFFA0, s19;
	s18 =	sadd.s32 $0x8, s18;
	v29 =	vmul.f32 v13, v13;
	v30 =	vld.idx.msk [tilespmem:v3+s14+$0x0], $0xffff;
	v31 =	vadd.f32 v12, v11;
	v13 =	vmovc v8;
	v12 =	vmov v9  }
0xd6: {  	v8 =	vsub.f32 v18, v5;
	v11 =	vor.u32 s20, v0;
	v10 =	vor.u32 s21, v0;
	p0 =	slt.u32 s18, $0xF8;
	v18 =	vld.idx.msk [tilespmem:v7+s14+$0x0], $0xffff  }
0xd7: {  	v25 =	vsub.f32 v25, v4;
	v27 =	vmul.f32 v27, v27;
	v28 =	vadd.f32 v28, v31  }
0xd8: {  	v19 =	vsub.f32 v19, v6;
	v26 =	vmul.f32 v26, v26;
	v21 =	vadd.f32 v29, v21  }
0xd9: {  	v25 =	vmul.f32 v25, v25;
	v24 =	vsub.f32 v24, v5;
	v23 =	vmin.f32 v23, v28;
	v9 =	vld.idx.msk [tilespmem:v9+s14+$0x0], $0xffff  }
0xda: {  	v8 =	vmul.f32 v8, v8;
	v15 =	vadd.f32 v15, v21;
	[tilespmem:v2+s15+$0x0] =	vst.idx.msk $0xffff, v23;
	v21 =	vld.idx.msk [tilespmem:v13+s14+$0x0], $0xffff  }
0xdb: {  	v19 =	vmul.f32 v19, v19;
	v22 =	vsub.f32 v22, v4;
	v24 =	vmul.f32 v24, v24;
	v28 =	vld.idx.msk [tilespmem:v10+s12+$0x0], $0xffff  }
0xdc: {  	v17 =	vsub.f32 v17, v5;
	v20 =	vmul.f32 v20, v20;
	v15 =	vmin.f32 v30, v15;
	v29 =	vld.idx.msk [tilespmem:v10+s11+$0x0], $0xffff  }
0xdd: {  	v22 =	vmul.f32 v22, v22;
	vm1 =	vgt.f32 v15, v16;
	v24 =	vadd.f32 v27, v24;
	v30 =	vld.idx.msk [tilespmem:v11+s12+$0x0], $0xffff  }
0xde: {  	s20 =	sadd.s32 $0xFFFFFFB0, s19;
	s21 =	sadd.s32 $0xFFFFFFD0, s19;
	v17 =	vmul.f32 v17, v17;
	v16 =	vsel vm1, v15, v16;
	v14 =	vsel vm1, v3, v14;
	v27 =	vld.idx.msk [tilespmem:v10+s2+$0x0], $0xffff  }
0xdf: {  	v32 =	vor.u32 s20, v0;
	v33 =	vor.u32 s21, v0;
	v31 =	vld.idx.msk [tilespmem:v11+s11+$0x0], $0xffff;
	[tilespmem:v3+s15+$0x0] =	vst.idx.msk $0xffff, v15;
	v15 =	vadd.f32 v22, v24  }
0xe0: {  	s20 =	sadd.s32 $0xFFFFFFC0, s19;
	v8 =	vadd.f32 v19, v8;
	v17 =	vadd.f32 v20, v17;
	vm1 =	vgt.f32 v23, v16;
	v22 =	vld.idx.msk [tilespmem:v11+s2+$0x0], $0xffff  }
0xe1: {  	v3 =	vor.u32 s20, v0;
	v14 =	vsel vm1, v2, v14;
	v2 =	vmovc v33;
	v19 =	vsub.f32 v28, v4  }
0xe2: {  	v20 =	vadd.f32 v26, v8;
	v17 =	vadd.f32 v25, v17;
	s20 =	sadd.s32 $0xFFFFFFF0, s19;
	v16 =	vsel vm1, v23, v16  }
0xe3: {  	v8 =	vor.u32 s20, v0;
	v24 =	vsub.f32 v29, v6;
	v23 =	vsub.f32 v30, v4;
	v25 =	vld.idx.msk [tilespmem:v10+s14+$0x0], $0xffff  }
0xe4: {  	v18 =	vmin.f32 v18, v20;
	v15 =	vmin.f32 v9, v15;
	v26 =	vsub.f32 v27, v5;
	v27 =	vld.idx.msk [tilespmem:v32+s12+$0x0], $0xffff  }
0xe5: {  	v20 =	vmul.f32 v24, v24;
	v9 =	vsub.f32 v31, v6;
	v24 =	vld.idx.msk [tilespmem:v32+s2+$0x0], $0xffff;
	[tilespmem:v7+s15+$0x0] =	vst.idx.msk $0xffff, v18  }
0xe6: {  	vm1 =	vgt.f32 v18, v16;
	v22 =	vsub.f32 v22, v5;
	v26 =	vmul.f32 v26, v26;
	v28 =	vld.idx.msk [tilespmem:v3+s12+$0x0], $0xffff  }
0xe7: {  	v17 =	vmin.f32 v21, v17;
	v29 =	vmul.f32 v9, v9;
	v9 =	vmul.f32 v19, v19;
	v19 =	vld.idx.msk [tilespmem:v32+s11+$0x0], $0xffff  }
0xe8: {  	v16 =	vsel vm1, v18, v16;
	v21 =	vmul.f32 v22, v22;
	v20 =	vadd.f32 v20, v26;
	v22 =	vld.idx.msk [tilespmem:v3+s11+$0x0], $0xffff  }
0xe9: {  	vm2 =	vgt.f32 v17, v16;
	v18 =	vmul.f32 v23, v23;
	v23 =	vld.idx.msk [tilespmem:v3+s2+$0x0], $0xffff;
	[tilespmem:v12+s15+$0x0] =	vst.idx.msk $0xffff, v15  }
0xea: {  	v14 =	vsel vm1, v7, v14;
	v20 =	vadd.f32 v9, v20;
	v27 =	vsub.f32 v27, v4;
	v26 =	vld.idx.msk [tilespmem:v11+s14+$0x0], $0xffff  }
0xeb: {  	s20 =	sadd.s32 $0xFFFFFFE0, s19;
	v16 =	vsel vm2, v17, v16;
	v9 =	vor.u32 s19, v0;
	v24 =	vsub.f32 v24, v5;
	[tilespmem:v13+s15+$0x0] =	vst.idx.msk $0xffff, v17  }
0xec: {  	v7 =	vor.u32 s20, v0;
	v17 =	vadd.f32 v29, v21;
	v21 =	vsub.f32 v28, v4;
	v28 =	vld.idx.msk [tilespmem:v2+s12+$0x0], $0xffff  }
0xed: {  	vm1 =	vgt.f32 v15, v16;
	v19 =	vsub.f32 v19, v6;
	v24 =	vmul.f32 v24, v24;
	v29 =	vld.idx.msk [tilespmem:v2+s11+$0x0], $0xffff  }
0xee: {  	v14 =	vsel vm2, v13, v14;
	v27 =	vmul.f32 v27, v27;
	v17 =	vadd.f32 v18, v17;
	v30 =	vld.idx.msk [tilespmem:v32+s14+$0x0], $0xffff  }
0xef: {  	v31 =	vmin.f32 v25, v20;
	v13 =	vsub.f32 v22, v6;
	v18 =	vmul.f32 v19, v19;
	v20 =	vld.idx.msk [tilespmem:v2+s2+$0x0], $0xffff  }
0xf0: {  	v15 =	vsel vm1, v15, v16;
	v22 =	vmin.f32 v26, v17;
	v17 =	vsub.f32 v23, v5;
	v33 =	vld.idx.msk [tilespmem:v8+s11+$0x0], $0xffff  }
0xf1: {  	v12 =	vsel vm1, v12, v14;
	vm2 =	vgt.f32 v22, v15;
	v16 =	vadd.f32 v18, v24;
	v24 =	vld.idx.msk [tilespmem:v7+s12+$0x0], $0xffff  }
0xf2: {  	v14 =	vsel vm2, v22, v15;
	v15 =	vmul.f32 v21, v21;
	v28 =	vsub.f32 v28, v4;
	v18 =	vld.idx.msk [tilespmem:v7+s2+$0x0], $0xffff  }
0xf3: {  	v12 =	vsel vm2, v11, v12;
	vm1 =	vgt.f32 v31, v14;
	v16 =	vadd.f32 v27, v16;
	v27 =	vld.idx.msk [tilespmem:v9+s11+$0x0], $0xffff  }
0xf4: {  	v14 =	vsel vm1, v31, v14;
	v23 =	vsel vm1, v10, v12;
	v12 =	vsub.f32 v29, v6;
	v19 =	vld.idx.msk [tilespmem:v7+s11+$0x0], $0xffff  }
.Ltmp2:
0xf5: {  	v21 =	vmul.f32 v17, v17;
	v16 =	vmin.f32 v30, v16;
	v20 =	vsub.f32 v20, v5;
	v17 =	vld.idx.msk [tilespmem:v8+s2+$0x0], $0xffff;
	(pc) =	sbr.rel @p0 .LBB2_6-.Ltmp2, $4  }
0xf6: {  	vm1 =	vgt.f32 v16, v14;
	v12 =	vmul.f32 v12, v12;
	[tilespmem:v32+s15+$0x0] =	vst.idx.msk $0xffff, v16;
	v25 =	vld.idx.msk [tilespmem:v8+s12+$0x0], $0xffff  }
0xf7: {  	v16 =	vsel vm1, v16, v14;
	v14 =	vsel vm1, v32, v23;
	v26 =	vsub.f32 v24, v4;
	v23 =	vld.idx.msk [tilespmem:v2+s14+$0x0], $0xffff  }
0xf8: {  	[tilespmem:v11+s15+$0x0] =	vst.idx.msk $0xffff, v22;
	v11 =	vmul.f32 v20, v20;
	v20 =	vsub.f32 v33, v6;
	v24 =	vld.idx.msk [tilespmem:v9+s2+$0x0], $0xffff  }
0xf9: {  	s19 =	sadd.s32 $0x80, s19;
	v28 =	vmul.f32 v28, v28;
	v27 =	vsub.f32 v27, v6;
	[tilespmem:v10+s15+$0x0] =	vst.idx.msk $0xffff, v31;
	v22 =	vld.idx.msk [tilespmem:v9+s12+$0x0], $0xffff  }
0xfa: {  	_ =	sdelay $0x2  }
0xfb: {  	v10 =	vmul.f32 v13, v13;
	v11 =	vadd.f32 v12, v11  }
0xfc: {  	v12 =	vld.idx.msk [tilespmem:v3+s14+$0x0], $0xffff;
	v13 =	vsub.f32 v18, v5;
	v6 =	vsub.f32 v19, v6;
	v19 =	vmul.f32 v26, v26  }
0xfd: {  	v18 =	vsub.f32 v25, v4;
	v10 =	vadd.f32 v10, v21;
	v21 =	vmul.f32 v27, v27  }
0xfe: {  	v11 =	vadd.f32 v28, v11;
	v13 =	vmul.f32 v13, v13;
	v6 =	vmul.f32 v6, v6  }
0xff: {  	v18 =	vmul.f32 v18, v18;
	v10 =	vadd.f32 v15, v10;
	v15 =	vsub.f32 v17, v5  }
0x100: {  	v11 =	vmin.f32 v23, v11;
	v17 =	vld.idx.msk [tilespmem:v7+s14+$0x0], $0xffff;
	v5 =	vsub.f32 v24, v5;
	v6 =	vadd.f32 v6, v13  }
0x101: {  	v10 =	vmin.f32 v12, v10;
	v12 =	vmul.f32 v20, v20;
	v15 =	vmul.f32 v15, v15  }
0x102: {  	v13 =	vld.idx.msk [tilespmem:v8+s14+$0x0], $0xffff;
	v4 =	vsub.f32 v22, v4;
	v5 =	vmul.f32 v5, v5;
	vm1 =	vgt.f32 v10, v16  }
0x103: {  	v6 =	vadd.f32 v19, v6;
	v16 =	vsel vm1, v10, v16;
	v12 =	vadd.f32 v12, v15  }
0x104: {  	v4 =	vmul.f32 v4, v4;
	v15 =	vld.idx.msk [tilespmem:v9+s14+$0x0], $0xffff;
	v5 =	vadd.f32 v21, v5;
	vm2 =	vgt.f32 v11, v16  }
0x105: {  	v6 =	vmin.f32 v17, v6;
	v16 =	vsel vm2, v11, v16;
	v12 =	vadd.f32 v18, v12  }
0x106: {  	vm3 =	vgt.f32 v6, v16  }
0x107: {  	v4 =	vadd.f32 v4, v5;
	v5 =	vmin.f32 v13, v12;
	v12 =	vsel vm3, v6, v16  }
0x108: {  	vm4 =	vgt.f32 v5, v12  }
0x109: {  	v4 =	vmin.f32 v15, v4;
	v12 =	vsel vm4, v5, v12  }
0x10a: {  	vm5 =	vgt.f32 v4, v12  }
0x10b: {  	v12 =	vsel vm5, v4, v12  }
0x10c: {  	(xrf0) =	vmax.scan.msk.f32 $0xffff, v12;
	_ =	sdelay $0x3  }
0x10d: {  	v13 =	vsel vm1, v3, v14  }
0x10e: {  	v13 =	vsel vm2, v2, v13  }
0x10f: {  	v13 =	vsel vm3, v7, v13;
	v14, _, _ =	vpop (xrf0)  }
0x110: {  	v13 =	vsel vm4, v8, v13;
	v14 =	vbroadcast v14, $0xF  }
0x111: {  	v13 =	vsel vm5, v9, v13  }
0x112: {  	vm1 =	veq.f32 v12, v14;
	v12 =	vxor.u32 $0x80000000, v13  }
0x113: {  	v12 =	vnsel vm1, $0xFFFFFFFF, v12  }
0x114: {  	(xrf0) =	vmin.scan.msk.u32 $0xffff, v12;
	_ =	sdelay $0x5  }
0x115: {  	v12, _, _ =	vpop (xrf0)  }
0x116: {  	(v2sf) =	vpush v12, $0xF;
	_ =	sdelay $0x8  }
0x117: {  	s18 =	sshll.u32 s17, $0x1  }
0x118: {  	s19 =	sadd.s32 $0x2, s18  }
0x119: {  	v12 =	vmov s19  }
0x11a: {  	v12 =	vbroadcast v12, $0x0  }
0x11b: {  	s23 =	simm.s32 $0x10;
	[tilespmem:v2+s15+$0x0] =	vst.idx.msk $0xffff, v11  }
0x11c: {  	[tilespmem:v3+s15+$0x0] =	vst.idx.msk $0xffff, v10;
	v10 =	vor.u32 s23, v0  }
0x11d: {  	[tilespmem:v7+s15+$0x0] =	vst.idx.msk $0xffff, v6;
	s22 =	spop (v2sf)  }
0x11e: {  	s24 =	simm.s32 $0x0;
	[tilespmem:v8+s15+$0x0] =	vst.idx.msk $0xffff, v5;
	s19 =	sxor.u32 $0x80000000, s22  }
0x11f: {  	v11 =	vor.u32 s24, v0;
	[tilespmem:v9+s15+$0x0] =	vst.idx.msk $0xffff, v4;
	v2 =	vmov s19  }
0x120: {  	[tilespmem:v12+s13+$0x0] =	vst.idx.msk $0x1, v2  }
0x121: {  	v6 =	vld.idx.msk [tilespmem:v10+s12+$0x0], $0xffff  }
0x122: {  	v3 =	vld.idx.msk [tilespmem:v10+s11+$0x0], $0xffff  }
0x123: {  	v8 =	vld.idx.msk [tilespmem:v10+s2+$0x0], $0xffff  }
0x124: {  	v9 =	vld.idx.msk [tilespmem:v11+s12+$0x0], $0xffff  }
0x125: {  	s25 =	simm.s32 $0x20;
	v12 =	vld.idx.msk [tilespmem:v11+s11+$0x0], $0xffff  }
0x126: {  	v14 =	vor.u32 s25, v0;
	v5 =	vld.idx.msk [tilespmem:v2+s2+$0x0], $0xffff  }
0x127: {  	v7 =	vld.idx.msk [tilespmem:v2+s11+$0x0], $0xffff  }
0x128: {  	v4 =	vld.idx.msk [tilespmem:v2+s12+$0x0], $0xffff  }
0x129: {  	s26 =	simm.s32 $0x30;
	v13 =	vld.idx.msk [tilespmem:v11+s2+$0x0], $0xffff  }
0x12a: {  	v15 =	vld.idx.msk [tilespmem:v10+s15+$0x0], $0xffff;
	v2 =	vor.u32 s26, v0  }
0x12b: {  	v18 =	vld.idx.msk [tilespmem:v14+s2+$0x0], $0xffff  }
0x12c: {  	s28 =	simm.s32 $0x40;
	v27 =	vimm.s32 $0x0;
	v17 =	vld.idx.msk [tilespmem:v14+s12+$0x0], $0xffff;
	v16 =	vsub.f32 v3, v7  }
0x12d: {  	v20 =	vld.idx.msk [tilespmem:v14+s11+$0x0], $0xffff;
	v8 =	vsub.f32 v8, v5;
	v3 =	vor.u32 s28, v0;
	v6 =	vsub.f32 v6, v4  }
0x12e: {  	v22 =	vimm.f32 $-Inf;
	v25 =	vld.idx.msk [tilespmem:v11+s15+$0x0], $0xffff;
	v12 =	vsub.f32 v12, v7;
	v13 =	vsub.f32 v13, v5  }
0x12f: {  	v19 =	vld.idx.msk [tilespmem:v2+s12+$0x0], $0xffff;
	v9 =	vsub.f32 v9, v4;
	v16 =	vmul.f32 v16, v16;
	v8 =	vmul.f32 v8, v8  }
0x130: {  	s29 =	simm.s32 $0x60;
	v21 =	vld.idx.msk [tilespmem:v2+s11+$0x0], $0xffff;
	v18 =	vsub.f32 v18, v5;
	v12 =	vmul.f32 v12, v12;
	v13 =	vmul.f32 v13, v13  }
0x131: {  	s31 =	simm.s32 $0x70;
	v23 =	vld.idx.msk [tilespmem:v2+s2+$0x0], $0xffff;
	v6 =	vmul.f32 v6, v6;
	v16 =	vadd.f32 v16, v8;
	v8 =	vor.u32 s29, v0  }
0x132: {  	v24 =	vmul.f32 v9, v9;
	v9 =	vor.u32 s31, v0;
	v12 =	vadd.f32 v12, v13;
	v26 =	vld.idx.msk [tilespmem:v3+s12+$0x0], $0xffff  }
0x133: {  	s30 =	simm.s32 $0x50;
	v18 =	vmul.f32 v18, v18;
	v13 =	vsub.f32 v17, v4;
	v17 =	vsub.f32 v20, v7;
	v20 =	vld.idx.msk [tilespmem:v3+s11+$0x0], $0xffff  }
0x134: {  	v29 =	vld.idx.msk [tilespmem:v3+s2+$0x0], $0xffff;
	v16 =	vadd.f32 v6, v16;
	v6 =	vor.u32 s30, v0;
	v12 =	vadd.f32 v24, v12  }
0x135: {  	v19 =	vsub.f32 v19, v4;
	v24 =	vld.idx.msk [tilespmem:v14+s15+$0x0], $0xffff;
	v28 =	vmul.f32 v13, v13;
	v17 =	vmul.f32 v17, v17  }
0x136: {  	v13 =	vsub.f32 v21, v7;
	v30 =	vmin.f32 v15, v16;
	v31 =	vmin.f32 v25, v12;
	v32 =	vld.idx.msk [tilespmem:v8+s11+$0x0], $0xffff  }
0x137: {  	v12 =	vsub.f32 v23, v5;
	v16 =	vadd.f32 v17, v18;
	vm1 =	vgt.f32 v31, v22;
	v25 =	vld.idx.msk [tilespmem:v8+s12+$0x0], $0xffff  }
0x138: {  	v15 =	vmul.f32 v19, v19;
	[tilespmem:v11+s14+$0x0] =	vst.idx.msk $0xffff, v31;
	v19 =	vsel vm1, v11, v27;
	v27 =	vld.idx.msk [tilespmem:v9+s11+$0x0], $0xffff  }
0x139: {  	[tilespmem:v10+s14+$0x0] =	vst.idx.msk $0xffff, v30;
	v17 =	vsel vm1, v31, v22;
	v22 =	vsub.f32 v26, v4;
	v33 =	vld.idx.msk [tilespmem:v6+s12+$0x0], $0xffff  }
0x13a: {  	v16 =	vadd.f32 v28, v16;
	v20 =	vsub.f32 v20, v7;
	v18 =	vld.idx.msk [tilespmem:v6+s2+$0x0], $0xffff;
	vm1 =	vgt.f32 v30, v17  }
0x13b: {  	v21 =	vmul.f32 v12, v12;
	v23 =	vsel vm1, v30, v17;
	v26 =	vsel vm1, v10, v19;
	v19 =	vld.idx.msk [tilespmem:v6+s11+$0x0], $0xffff  }
0x13c: {  	v16 =	vmin.f32 v24, v16;
	v24 =	vsub.f32 v29, v5;
	v17 =	vld.idx.msk [tilespmem:v8+s2+$0x0], $0xffff;
	v12 =	vmul.f32 v20, v20  }
0x13d: {  	v28 =	vmul.f32 v22, v22;
	v22 =	vld.idx.msk [tilespmem:v9+s12+$0x0], $0xffff;
	[tilespmem:v14+s14+$0x0] =	vst.idx.msk $0xffff, v16;
	vm1 =	vgt.f32 v16, v23  }
0x13e: {  	v16 =	vsel vm1, v16, v23;
	v23 =	vld.idx.msk [tilespmem:v3+s15+$0x0], $0xffff;
	v11 =	vmul.f32 v24, v24;
	v20 =	vsub.f32 v32, v7  }
0x13f: {  	s20 =	simm.s32 $0xF0;
	s19 =	simm.s32 $0x0;
	v14 =	vsel vm1, v14, v26;
	v24 =	vld.idx.msk [tilespmem:v9+s2+$0x0], $0xffff;
	v27 =	vsub.f32 v27, v7;
	v26 =	vsub.f32 v33, v4  }
.LBB2_8:
0x140: {  	s21 =	sadd.s32 $0xFFFFFF90, s20;
	s22 =	sadd.s32 $0xFFFFFFA0, s20;
	s19 =	sadd.s32 $0x8, s19;
	v29 =	vmul.f32 v13, v13;
	v30 =	vld.idx.msk [tilespmem:v2+s15+$0x0], $0xffff;
	v31 =	vadd.f32 v12, v11;
	v13 =	vmovc v8;
	v12 =	vmov v9  }
0x141: {  	v8 =	vsub.f32 v18, v5;
	v11 =	vor.u32 s21, v0;
	v10 =	vor.u32 s22, v0;
	p0 =	slt.u32 s19, $0xF8;
	v18 =	vld.idx.msk [tilespmem:v6+s15+$0x0], $0xffff  }
0x142: {  	v25 =	vsub.f32 v25, v4;
	v27 =	vmul.f32 v27, v27;
	v28 =	vadd.f32 v28, v31  }
0x143: {  	v19 =	vsub.f32 v19, v7;
	v26 =	vmul.f32 v26, v26;
	v21 =	vadd.f32 v29, v21  }
0x144: {  	v25 =	vmul.f32 v25, v25;
	v24 =	vsub.f32 v24, v5;
	v23 =	vmin.f32 v23, v28;
	v9 =	vld.idx.msk [tilespmem:v9+s15+$0x0], $0xffff  }
0x145: {  	v8 =	vmul.f32 v8, v8;
	v15 =	vadd.f32 v15, v21;
	[tilespmem:v3+s14+$0x0] =	vst.idx.msk $0xffff, v23;
	v21 =	vld.idx.msk [tilespmem:v13+s15+$0x0], $0xffff  }
0x146: {  	v19 =	vmul.f32 v19, v19;
	v22 =	vsub.f32 v22, v4;
	v24 =	vmul.f32 v24, v24;
	v28 =	vld.idx.msk [tilespmem:v10+s12+$0x0], $0xffff  }
0x147: {  	v17 =	vsub.f32 v17, v5;
	v20 =	vmul.f32 v20, v20;
	v15 =	vmin.f32 v30, v15;
	v29 =	vld.idx.msk [tilespmem:v10+s11+$0x0], $0xffff  }
0x148: {  	v22 =	vmul.f32 v22, v22;
	vm1 =	vgt.f32 v15, v16;
	v24 =	vadd.f32 v27, v24;
	v30 =	vld.idx.msk [tilespmem:v11+s12+$0x0], $0xffff  }
0x149: {  	s21 =	sadd.s32 $0xFFFFFFB0, s20;
	s22 =	sadd.s32 $0xFFFFFFD0, s20;
	v17 =	vmul.f32 v17, v17;
	v16 =	vsel vm1, v15, v16;
	v14 =	vsel vm1, v2, v14;
	v27 =	vld.idx.msk [tilespmem:v10+s2+$0x0], $0xffff  }
0x14a: {  	v32 =	vor.u32 s21, v0;
	v33 =	vor.u32 s22, v0;
	v31 =	vld.idx.msk [tilespmem:v11+s11+$0x0], $0xffff;
	[tilespmem:v2+s14+$0x0] =	vst.idx.msk $0xffff, v15;
	v15 =	vadd.f32 v22, v24  }
0x14b: {  	s21 =	sadd.s32 $0xFFFFFFC0, s20;
	v8 =	vadd.f32 v19, v8;
	v17 =	vadd.f32 v20, v17;
	vm1 =	vgt.f32 v23, v16;
	v22 =	vld.idx.msk [tilespmem:v11+s2+$0x0], $0xffff  }
0x14c: {  	v2 =	vor.u32 s21, v0;
	v14 =	vsel vm1, v3, v14;
	v3 =	vmovc v33;
	v19 =	vsub.f32 v28, v4  }
0x14d: {  	v20 =	vadd.f32 v26, v8;
	v17 =	vadd.f32 v25, v17;
	s21 =	sadd.s32 $0xFFFFFFF0, s20;
	v16 =	vsel vm1, v23, v16  }
0x14e: {  	v8 =	vor.u32 s21, v0;
	v24 =	vsub.f32 v29, v7;
	v23 =	vsub.f32 v30, v4;
	v25 =	vld.idx.msk [tilespmem:v10+s15+$0x0], $0xffff  }
0x14f: {  	v18 =	vmin.f32 v18, v20;
	v15 =	vmin.f32 v9, v15;
	v26 =	vsub.f32 v27, v5;
	v27 =	vld.idx.msk [tilespmem:v32+s12+$0x0], $0xffff  }
0x150: {  	v20 =	vmul.f32 v24, v24;
	v9 =	vsub.f32 v31, v7;
	v24 =	vld.idx.msk [tilespmem:v32+s2+$0x0], $0xffff;
	[tilespmem:v6+s14+$0x0] =	vst.idx.msk $0xffff, v18  }
0x151: {  	vm1 =	vgt.f32 v18, v16;
	v22 =	vsub.f32 v22, v5;
	v26 =	vmul.f32 v26, v26;
	v28 =	vld.idx.msk [tilespmem:v2+s12+$0x0], $0xffff  }
0x152: {  	v17 =	vmin.f32 v21, v17;
	v29 =	vmul.f32 v9, v9;
	v9 =	vmul.f32 v19, v19;
	v19 =	vld.idx.msk [tilespmem:v32+s11+$0x0], $0xffff  }
0x153: {  	v16 =	vsel vm1, v18, v16;
	v21 =	vmul.f32 v22, v22;
	v20 =	vadd.f32 v20, v26;
	v22 =	vld.idx.msk [tilespmem:v2+s11+$0x0], $0xffff  }
0x154: {  	vm2 =	vgt.f32 v17, v16;
	v18 =	vmul.f32 v23, v23;
	v23 =	vld.idx.msk [tilespmem:v2+s2+$0x0], $0xffff;
	[tilespmem:v12+s14+$0x0] =	vst.idx.msk $0xffff, v15  }
0x155: {  	v14 =	vsel vm1, v6, v14;
	v20 =	vadd.f32 v9, v20;
	v27 =	vsub.f32 v27, v4;
	v26 =	vld.idx.msk [tilespmem:v11+s15+$0x0], $0xffff  }
0x156: {  	s21 =	sadd.s32 $0xFFFFFFE0, s20;
	v16 =	vsel vm2, v17, v16;
	v9 =	vor.u32 s20, v0;
	v24 =	vsub.f32 v24, v5;
	[tilespmem:v13+s14+$0x0] =	vst.idx.msk $0xffff, v17  }
0x157: {  	v6 =	vor.u32 s21, v0;
	v17 =	vadd.f32 v29, v21;
	v21 =	vsub.f32 v28, v4;
	v28 =	vld.idx.msk [tilespmem:v3+s12+$0x0], $0xffff  }
0x158: {  	vm1 =	vgt.f32 v15, v16;
	v19 =	vsub.f32 v19, v7;
	v24 =	vmul.f32 v24, v24;
	v29 =	vld.idx.msk [tilespmem:v3+s11+$0x0], $0xffff  }
0x159: {  	v14 =	vsel vm2, v13, v14;
	v27 =	vmul.f32 v27, v27;
	v17 =	vadd.f32 v18, v17;
	v30 =	vld.idx.msk [tilespmem:v32+s15+$0x0], $0xffff  }
0x15a: {  	v31 =	vmin.f32 v25, v20;
	v13 =	vsub.f32 v22, v7;
	v18 =	vmul.f32 v19, v19;
	v20 =	vld.idx.msk [tilespmem:v3+s2+$0x0], $0xffff  }
0x15b: {  	v15 =	vsel vm1, v15, v16;
	v22 =	vmin.f32 v26, v17;
	v17 =	vsub.f32 v23, v5;
	v33 =	vld.idx.msk [tilespmem:v8+s11+$0x0], $0xffff  }
0x15c: {  	v12 =	vsel vm1, v12, v14;
	vm2 =	vgt.f32 v22, v15;
	v16 =	vadd.f32 v18, v24;
	v24 =	vld.idx.msk [tilespmem:v6+s12+$0x0], $0xffff  }
0x15d: {  	v14 =	vsel vm2, v22, v15;
	v15 =	vmul.f32 v21, v21;
	v28 =	vsub.f32 v28, v4;
	v18 =	vld.idx.msk [tilespmem:v6+s2+$0x0], $0xffff  }
0x15e: {  	v12 =	vsel vm2, v11, v12;
	vm1 =	vgt.f32 v31, v14;
	v16 =	vadd.f32 v27, v16;
	v27 =	vld.idx.msk [tilespmem:v9+s11+$0x0], $0xffff  }
0x15f: {  	v14 =	vsel vm1, v31, v14;
	v23 =	vsel vm1, v10, v12;
	v12 =	vsub.f32 v29, v7;
	v19 =	vld.idx.msk [tilespmem:v6+s11+$0x0], $0xffff  }
.Ltmp3:
0x160: {  	v21 =	vmul.f32 v17, v17;
	v16 =	vmin.f32 v30, v16;
	v20 =	vsub.f32 v20, v5;
	v17 =	vld.idx.msk [tilespmem:v8+s2+$0x0], $0xffff;
	(pc) =	sbr.rel @p0 .LBB2_8-.Ltmp3, $4  }
0x161: {  	vm1 =	vgt.f32 v16, v14;
	v12 =	vmul.f32 v12, v12;
	[tilespmem:v32+s14+$0x0] =	vst.idx.msk $0xffff, v16;
	v25 =	vld.idx.msk [tilespmem:v8+s12+$0x0], $0xffff  }
0x162: {  	v16 =	vsel vm1, v16, v14;
	v14 =	vsel vm1, v32, v23;
	v26 =	vsub.f32 v24, v4;
	v23 =	vld.idx.msk [tilespmem:v3+s15+$0x0], $0xffff  }
0x163: {  	[tilespmem:v11+s14+$0x0] =	vst.idx.msk $0xffff, v22;
	v11 =	vmul.f32 v20, v20;
	v20 =	vsub.f32 v33, v7;
	v24 =	vld.idx.msk [tilespmem:v9+s2+$0x0], $0xffff  }
0x164: {  	s20 =	sadd.s32 $0x80, s20;
	v28 =	vmul.f32 v28, v28;
	v27 =	vsub.f32 v27, v7;
	[tilespmem:v10+s14+$0x0] =	vst.idx.msk $0xffff, v31;
	v22 =	vld.idx.msk [tilespmem:v9+s12+$0x0], $0xffff  }
0x165: {  	_ =	sdelay $0x2  }
0x166: {  	v10 =	vmul.f32 v13, v13;
	v11 =	vadd.f32 v12, v11  }
0x167: {  	v50 =	vld.idx.msk [tilespmem:v2+s15+$0x0], $0xffff;
	v51 =	vsub.f32 v18, v5;
	v7 =	vsub.f32 v19, v7;
	v54 =	vmul.f32 v26, v26  }
0x168: {  	v55 =	vsub.f32 v17, v5;
	v57 =	vmul.f32 v20, v20;
	v10 =	vadd.f32 v10, v21  }
0x169: {  	v52 =	vsub.f32 v25, v4;
	v53 =	vmul.f32 v27, v27;
	v11 =	vadd.f32 v28, v11  }
0x16a: {  	v13 =	vmul.f32 v51, v51;
	v7 =	vmul.f32 v7, v7;
	v10 =	vadd.f32 v15, v10  }
0x16b: {  	v56 =	vld.idx.msk [tilespmem:v6+s15+$0x0], $0xffff;
	v18 =	vmul.f32 v52, v52;
	v5 =	vsub.f32 v24, v5;
	v11 =	vmin.f32 v23, v11  }
0x16c: {  	v15 =	vmul.f32 v55, v55;
	v7 =	vadd.f32 v7, v13;
	v10 =	vmin.f32 v50, v10  }
0x16d: {  	v58 =	vld.idx.msk [tilespmem:v8+s15+$0x0], $0xffff;
	v4 =	vsub.f32 v22, v4;
	v5 =	vmul.f32 v5, v5;
	vm1 =	vgt.f32 v10, v16  }
0x16e: {  	v12 =	vadd.f32 v57, v15;
	v7 =	vadd.f32 v54, v7;
	v16 =	vsel vm1, v10, v16  }
0x16f: {  	v59 =	vld.idx.msk [tilespmem:v9+s15+$0x0], $0xffff;
	v4 =	vmul.f32 v4, v4;
	v5 =	vadd.f32 v53, v5;
	vm2 =	vgt.f32 v11, v16  }
0x170: {  	v12 =	vadd.f32 v18, v12;
	v7 =	vmin.f32 v56, v7;
	v16 =	vsel vm2, v11, v16  }
0x171: {  	vm3 =	vgt.f32 v7, v16  }
0x172: {  	v4 =	vadd.f32 v4, v5;
	v5 =	vmin.f32 v58, v12;
	v60 =	vsel vm3, v7, v16  }
0x173: {  	vm4 =	vgt.f32 v5, v60  }
0x174: {  	v4 =	vmin.f32 v59, v4;
	v12 =	vsel vm4, v5, v60  }
0x175: {  	vm5 =	vgt.f32 v4, v12  }
0x176: {  	v12 =	vsel vm5, v4, v12  }
0x177: {  	(xrf0) =	vmax.scan.msk.f32 $0xffff, v12;
	_ =	sdelay $0x3  }
0x178: {  	v61 =	vsel vm1, v2, v14  }
0x179: {  	v13 =	vsel vm2, v3, v61  }
0x17a: {  	v13 =	vsel vm3, v6, v13;
	v62, _, _ =	vpop (xrf0)  }
0x17b: {  	v13 =	vsel vm4, v8, v13;
	v14 =	vbroadcast v62, $0xF  }
0x17c: {  	v13 =	vsel vm5, v9, v13  }
0x17d: {  	v63 =	vxor.u32 $0x80000000, v13;
	vm1 =	veq.f32 v12, v14  }
0x17e: {  	v12 =	vnsel vm1, $0xFFFFFFFF, v63  }
0x17f: {  	(xrf0) =	vmin.scan.msk.u32 $0xffff, v12;
	_ =	sdelay $0x5  }
0x180: {  	v12, _, _ =	vpop (xrf0)  }
0x181: {  	(v2sf) =	vpush v12, $0xF;
	_ =	sdelay $0xe  }
0x182: {  	s18 =	sadd.s32 $0x3, s18;
	s19 =	spop (v2sf)  }
0x183: {  	[tilespmem:v3+s14+$0x0] =	vst.idx.msk $0xffff, v11;
	v3 =	vmov s18;
	s19 =	sxor.u32 $0x80000000, s19  }
0x184: {  	[tilespmem:v2+s14+$0x0] =	vst.idx.msk $0xffff, v10;
	v2 =	vmov s19  }
0x185: {  	[tilespmem:v6+s14+$0x0] =	vst.idx.msk $0xffff, v7  }
0x186: {  	s17 =	sadd.s32 $0x1, s17;
	[tilespmem:v8+s14+$0x0] =	vst.idx.msk $0xffff, v5  }
0x187: {  	p0 =	sne.s32 s17, $0x1FF;
	[tilespmem:v9+s14+$0x0] =	vst.idx.msk $0xffff, v4  }
.Ltmp4:
0x188: {  	[tilespmem:v3+s13+$0x0] =	vst.idx.msk $0x1, v2;
	(pc) =	sbr.rel @p0 .LBB2_5-.Ltmp4, $3  }
0x189: {  	v5 =	vld.idx.msk [tilespmem:v2+s2+$0x0], $0xffff  }
0x18a: {  	v4 =	vld.idx.msk [tilespmem:v2+s12+$0x0], $0xffff  }
0x18b: {  	v6 =	vld.idx.msk [tilespmem:v2+s11+$0x0], $0xffff;
	_ =	sdelay $0x1  }
0x18c: {  	s16 =	sadd.s32 $0x1, s16  }
0x18d: {  	p0 =	sne.s32 s16, s7  }
.Ltmp5:
0x18e: {  	_ = 	snop;
	(pc) =	sbr.rel @p0 .LBB2_2-.Ltmp5, $4  }
0x18f: {  	[hbm4b:s5+s8] =	stream.strided.scatter [tilespmem:s13], [sflag:$0x1], $0x400, s9, s8, $0x38;
	[tilespmem:$0x5400] =	vst v63  }
0x190: {  	_ =	swait.ge [sflag:s10], $0x400  }
0x191: {  	[sflag:s10] =	ssyncset.done $0x0  }
0x192: {  	[sflag:s10] =	ssyncadd.s32 $0xFFFFFC00  }
.LBB2_11:
0x193: {  	_ =	sfence.sel $0x180000  }
0x194: {  	[bflag:$0x0] =	sbarrier.arrive $0xFFFF  }
0x195: {  	p0 =	sne.s32 s1, $0x0;
	_ =	strace $0x90000047  }
0x196: {  	s0 =	sadd.s32 @!p0 $0x100000, s0;
	[bflag:$0x2] =	sbarrier.arrive $0xFFFF  }
0x197: {  	[sflag:s0] =	ssyncadd.tile.s32 @!p0 $0x1;
	_ =	shalt  }
.Lfunc_end2:
_tile_overlayer_lowered:
.L_overlay_start_2:
0x198: {  	(tag) =	ssettag $0x2  }
0x199: {  	s0 =	rddreg [dreg:$0x0];
	s2 =	stileid.u32  }
0x19a: {  	s1 =	rddreg [dreg:$0x1];
	p0 =	sne.s32 s2, $0x0  }
0x19b: {  	s3 =	rddreg [dreg:$0x2];
	[bflag:$0x3] =	sbarrier.arrive $0xFFFF;
	s2 =	simm.s32 @!p0 $0x1C01  }
0x19c: {  	[timem:s3], [sflag:s2] =	dma.local @!p0 [hbm:s0], s1  }
0x19d: {  	s0 =	simm.s32 @!p0 $0x1  }
0x19e: {  	_ =	swait.ge @!p0 [sflag:s0], s1  }
0x19f: {  	s1 =	ssub.s32 @!p0 $0x0, s1;
	[sflag:s0] =	ssyncset.done @!p0 $0x0  }
0x1a0: {  	[sflag:s0] =	ssyncadd.s32 @!p0 s1  }
0x1a1: {  	[bflag:$0x3] =	sbarrier.arrive $0xFFFF  }
0x1a2: {  	_ =	shalt  }

</sc_bundles>
